<compile_context>
chip_gen: v7x
topology: tpu7x:2x2x1
jax: 0.10.2.dev20260603
libtpu: 0.0.44.dev20260713+nightly
codegen_flags: <defaults>
</compile_context>

<pallas_src>
import dataclasses
import functools

import jax
import jax.numpy as jnp
from jax import lax
from jax.experimental import pallas as pl
from jax.experimental.pallas import tpu as pltpu
from jax.experimental.pallas import tpu_sc as plsc

MIN_NORM = 1e-15
BALL_EPS = 4e-3
_MAXNORM = 1.0 - BALL_EPS

BLK = 1000
NC = 2
NS = 16
K = 80
DEGW = 16
NBUF = 2


def _rownorm(x):
    return jnp.maximum(jnp.sqrt(jnp.sum(x * x, axis=-1, keepdims=True)), MIN_NORM)


def _artanh(x):
    x = jnp.clip(x, -1.0 + 1e-7, 1.0 - 1e-7)
    return 0.5 * jnp.log((1.0 + x) / (1.0 - x))


def _proj(x):
    n = _rownorm(x)
    return jnp.where(n > _MAXNORM, x / n * _MAXNORM, x)


def _expmap0(u):
    n = _rownorm(u)
    return jnp.tanh(n) * u / n


def _logmap0(p):
    n = _rownorm(p)
    return _artanh(n) / n * p


def _pre_body(x_ref, w_ref, b_ref, o_ref):
    x = x_ref[...]
    w = w_ref[...]
    b = b_ref[...]
    x_norm = _rownorm(x)
    mx = lax.dot_general(x, w, (((1,), (1,)), ((), ())),
                         preferred_element_type=jnp.float32)
    mx_norm = _rownorm(mx)
    res = jnp.tanh(mx_norm / x_norm * _artanh(x_norm)) * mx / mx_norm
    res = jnp.where(jnp.all(mx == 0.0, axis=-1, keepdims=True), 0.0, res)
    res = _proj(res)
    hb = _proj(_expmap0(b))
    x2 = jnp.sum(res * res, axis=-1, keepdims=True)
    y2 = jnp.sum(hb * hb, axis=-1, keepdims=True)
    xy = jnp.sum(res * hb, axis=-1, keepdims=True)
    num = (1.0 + 2.0 * xy + y2) * res + (1.0 - x2) * hb
    den = 1.0 + 2.0 * xy + x2 * y2
    res = _proj(num / jnp.maximum(den, MIN_NORM))
    o_ref[...] = _logmap0(res)


def _post_body(sup_ref, deg_ref, o_ref):
    s = sup_ref[...]
    deg = deg_ref[:, 0:1]
    support_t = s * (1.0 / jnp.maximum(deg, 1.0))
    h = _proj(_expmap0(support_t))
    xt = jnp.maximum(_logmap0(h), 0.0)
    o_ref[...] = _proj(_expmap0(xt))


def _pre(x, w, b2):
    n, d = x.shape
    return pl.pallas_call(
        _pre_body,
        grid=(n // BLK,),
        in_specs=[pl.BlockSpec((BLK, d), lambda i: (i, 0)),
                  pl.BlockSpec((d, d), lambda i: (0, 0)),
                  pl.BlockSpec((1, d), lambda i: (0, 0))],
        out_specs=pl.BlockSpec((BLK, d), lambda i: (i, 0)),
        out_shape=jax.ShapeDtypeStruct((n, d), jnp.float32),
    )(x, w, b2)


def _post(sup, degp):
    n, d = sup.shape
    return pl.pallas_call(
        _post_body,
        grid=(n // BLK,),
        in_specs=[pl.BlockSpec((BLK, d), lambda i: (i, 0)),
                  pl.BlockSpec((BLK, d), lambda i: (i, 0))],
        out_specs=pl.BlockSpec((BLK, d), lambda i: (i, 0)),
        out_shape=jax.ShapeDtypeStruct((n, d), jnp.float32),
    )(sup, degp)


def _localize_dst(dstb, nchunks, cid, half, garb):
    lo = cid * half

    @pl.loop(0, nchunks)
    def _(c2):
        @pl.loop(0, K // 16)
        def _(j):
            v = dstb[c2, pl.ds(j * 16, 16)] - lo
            m = (v >= 0) & (v < half)
            dstb[c2, pl.ds(j * 16, 16)] = jnp.where(m, v, garb)


def _deg(ei4, n, d):
    nchunks = ei4.shape[2]
    half = n // NC
    hrows = -(-n // d)
    hpad = 8 * (-(-hrows // 8))
    arows = hpad + 16
    base = 8 * (half // (8 * NS))
    wrows = 16 * (-(-base // 16))
    mesh = plsc.VectorSubcoreMesh(core_axis_name="c", subcore_axis_name="s")
    cp = pltpu.CompilerParams()
    if "needs_layout_passes" in pltpu.CompilerParams.__dataclass_fields__:
        cp = dataclasses.replace(cp, needs_layout_passes=False)

    @functools.partial(
        pl.kernel,
        out_type=jax.ShapeDtypeStruct((n, d), jnp.float32),
        mesh=mesh,
        compiler_params=cp,
        scratch_types=[
            pltpu.VMEM((nchunks, K), jnp.int32),
            pltpu.VMEM((hpad, d), jnp.float32),
            pltpu.VMEM((16, d), jnp.float32),
            pltpu.VMEM((wrows, d), jnp.float32),
            pltpu.VMEM((8, d), jnp.float32),
            pltpu.VMEM((8, d), jnp.float32),
            pltpu.VMEM_SHARED((arows, d), jnp.float32),
            pltpu.VMEM_SHARED((NS, hpad, d), jnp.float32),
        ],
    )
    def k(ei_hbm, deg_hbm, dstb, h, hb, wide, tb8, acc8, accd, hstage):
        cid = lax.axis_index("c")
        sid = lax.axis_index("s")
        zv = jnp.zeros((16,), jnp.float32)
        iota = lax.iota(jnp.int32, 16)

        @pl.loop(0, hpad)
        def _(i):
            @pl.loop(0, d // 16)
            def _(j):
                h[i, pl.ds(j * 16, 16)] = zv

        pltpu.sync_copy(ei_hbm.at[1, sid], dstb)

        @pl.when(sid < arows // 8)
        def _():
            pltpu.sync_copy(h.at[pl.ds(0, 8)], accd.at[pl.ds(sid * 8, 8)])

        plsc.subcore_barrier()

        ones = zv + 1.0

        @pl.loop(0, nchunks)
        def _(c2):
            @pl.loop(0, K // 16)
            def _(j):
                v = dstb[c2, pl.ds(j * 16, 16)]
                plsc.addupdate_scatter(
                    h, [jnp.right_shift(v, 7), jnp.bitwise_and(v, d - 1)],
                    ones)

        pltpu.sync_copy(h, hstage.at[sid])
        plsc.subcore_barrier()

        @pl.when(sid < hpad // 8)
        def _():
            r0 = sid * 8

            @pl.loop(0, 8)
            def _(i):
                @pl.loop(0, d // 16)
                def _(j):
                    acc8[i, pl.ds(j * 16, 16)] = zv

            @pl.loop(0, NS)
            def _(u):
                pltpu.sync_copy(hstage.at[u, pl.ds(r0, 8)], tb8)

                @pl.loop(0, 8)
                def _(i):
                    @pl.loop(0, d // 16)
                    def _(j):
                        acc8[i, pl.ds(j * 16, 16)] += tb8[i,
                                                          pl.ds(j * 16, 16)]

            pltpu.sync_copy(acc8, accd.at[pl.ds(r0, 8)])

        plsc.subcore_barrier()

        p0 = cid * half + sid * base
        r0a = jnp.bitwise_and(jnp.right_shift(p0, 7), -8)
        pltpu.sync_copy(accd.at[pl.ds(r0a, 16)], hb)
        q0 = p0 - r0a * d

        @pl.loop(0, wrows // 16)
        def _(kk):
            q = iota + (q0 + kk * 16)
            dv = plsc.load_gather(
                hb, [jnp.right_shift(q, 7), jnp.bitwise_and(q, d - 1)])
            plsc.store_scatter(wide, [iota + kk * 16,
                                      jnp.zeros((16,), jnp.int32)], dv)

        pltpu.sync_copy(wide.at[pl.ds(0, base)], deg_hbm.at[pl.ds(p0, base)])

        @pl.when(sid == NS - 1)
        def _():
            pltpu.sync_copy(wide.at[pl.ds(base, wrows - base)],
                            deg_hbm.at[pl.ds(p0 + base, wrows - base)])

    return k(ei4)


def _sup(ei4, xt):
    n, d = xt.shape
    nchunks = ei4.shape[2]
    half = n // NC
    nacc = half + 8
    garb = half
    base = 8 * (half // (8 * NS))
    remz = nacc - base * NS
    remo = half - base * NS
    zchunk = 24
    mesh = plsc.VectorSubcoreMesh(core_axis_name="c", subcore_axis_name="s")
    cp = pltpu.CompilerParams()
    if "needs_layout_passes" in pltpu.CompilerParams.__dataclass_fields__:
        cp = dataclasses.replace(cp, needs_layout_passes=False)

    @functools.partial(
        pl.kernel,
        out_type=jax.ShapeDtypeStruct((n, d), jnp.float32),
        mesh=mesh,
        compiler_params=cp,
        scratch_types=[
            pltpu.VMEM((nchunks, K), jnp.int32),
            pltpu.VMEM((nchunks, K), jnp.int32),
            pltpu.VMEM((NBUF, K, d), jnp.float32),
            pltpu.VMEM((zchunk, d), jnp.float32),
            pltpu.VMEM_SHARED((nacc, d), jnp.float32),
            pltpu.SemaphoreType.DMA((NBUF,)),
            pltpu.SemaphoreType.DMA((NBUF,)),
        ],
    )
    def k(ei_hbm, xt_hbm, sup_hbm, srcb, dstb, rows, zb, acc, gsem, ssem):
        cid = lax.axis_index("c")
        sid = lax.axis_index("s")
        zv = jnp.zeros((16,), jnp.float32)

        @pl.loop(0, zchunk)
        def _(i):
            @pl.loop(0, d // 16)
            def _(j):
                zb[i, pl.ds(j * 16, 16)] = zv

        rbase = sid * base

        @pl.loop(0, base // zchunk)
        def _(i):
            pltpu.sync_copy(zb, acc.at[pl.ds(rbase + i * zchunk, zchunk)])

        @pl.when(sid == NS - 1)
        def _():
            pltpu.sync_copy(zb.at[pl.ds(0, remz)],
                            acc.at[pl.ds(nacc - remz, remz)])

        pltpu.sync_copy(ei_hbm.at[0, sid], srcb)
        pltpu.sync_copy(ei_hbm.at[1, sid], dstb)
        _localize_dst(dstb, nchunks, cid, half, garb)
        plsc.subcore_barrier()

        hlf = NBUF // 2
        for b in range(NBUF):
            pltpu.async_copy(xt_hbm.at[srcb.at[b]], rows.at[b], gsem.at[b])

        @pl.loop(0, nchunks)
        def _(c2):
            b = lax.rem(c2, NBUF)
            pltpu.make_async_copy(
                xt_hbm.at[srcb.at[c2]], rows.at[b], gsem.at[b]).wait()
            pltpu.async_copy(rows.at[b], acc.at[dstb.at[c2]], ssem.at[b],
                             add=True)
            m = c2 - hlf

            @pl.when(m >= 0)
            def _():
                bm = lax.rem(m, NBUF)
                pltpu.make_async_copy(
                    rows.at[bm], acc.at[dstb.at[m]], ssem.at[bm]).wait()
                cm = m + NBUF

                @pl.when(cm < nchunks)
                def _():
                    pltpu.async_copy(
                        xt_hbm.at[srcb.at[cm]], rows.at[bm], gsem.at[bm])

        @pl.loop(nchunks - hlf, nchunks)
        def _(m):
            bm = lax.rem(m, NBUF)
            pltpu.make_async_copy(
                rows.at[bm], acc.at[dstb.at[m]], ssem.at[bm]).wait()

        plsc.subcore_barrier()

        obase = cid * half

        @pl.loop(0, base // zchunk)
        def _(i):
            r0 = rbase + i * zchunk
            pltpu.sync_copy(acc.at[pl.ds(r0, zchunk)], zb)
            pltpu.sync_copy(zb, sup_hbm.at[pl.ds(obase + r0, zchunk)])

        @pl.when(sid == NS - 1)
        def _():
            r0 = base * NS
            pltpu.sync_copy(acc.at[pl.ds(r0, remo)], zb.at[pl.ds(0, remo)])
            pltpu.sync_copy(zb.at[pl.ds(0, remo)],
                            sup_hbm.at[pl.ds(obase + r0, remo)])

    return k(ei4, xt)


def kernel(x, edge_index, weight, bias):
    n, d = x.shape
    e = edge_index.shape[1]
    ei4 = edge_index.reshape(2, NS, e // (NS * K), K)
    degp = _deg(ei4, n, d)
    xt = _pre(x, weight, bias.reshape(1, d))
    sup = _sup(ei4, xt)
    return _post(sup, degp)

# --- scband reference (transcript-rebuilt; emitter-appended) ---
"""Pipeline reference for scband-hyperbolic-graph-convolution-21423296872808 (READ-ONLY COPY).

The authoritative reference and input builder live on the scoring server;
editing this copy changes nothing except your own understanding.
"""

import jax, jax.numpy as jnp
import numpy as np

N_NODES = 10000
N_EDGES = 320000
D_IN = 128
D_OUT = 128
C_IN = 1.0
C_OUT = 1.0
MIN_NORM = 1e-15
BALL_EPS = 4e-3


def _norm(x):
    return jnp.maximum(jnp.linalg.norm(x, axis=-1, keepdims=True), MIN_NORM)


def artanh(x):
    return jnp.arctanh(jnp.clip(x, -1.0 + 1e-7, 1.0 - 1e-7))


def proj(x, c):
    norm = _norm(x)
    maxnorm = (1.0 - BALL_EPS) / jnp.sqrt(c)
    return jnp.where(norm > maxnorm, x / norm * maxnorm, x)


def expmap0(u, c):
    sqrt_c = jnp.sqrt(c)
    u_norm = _norm(u)
    return jnp.tanh(sqrt_c * u_norm) * u / (sqrt_c * u_norm)


def logmap0(p, c):
    sqrt_c = jnp.sqrt(c)
    p_norm = _norm(p)
    return artanh(sqrt_c * p_norm) / (sqrt_c * p_norm) * p


def mobius_add(x, y, c):
    x2 = jnp.sum(x * x, axis=-1, keepdims=True)
    y2 = jnp.sum(y * y, axis=-1, keepdims=True)
    xy = jnp.sum(x * y, axis=-1, keepdims=True)
    num = (1.0 + 2.0 * c * xy + c * y2) * x + (1.0 - c * x2) * y
    denom = 1.0 + 2.0 * c * xy + c * c * x2 * y2
    return num / jnp.maximum(denom, MIN_NORM)


def mobius_matvec(m, x, c):
    sqrt_c = jnp.sqrt(c)
    x_norm = _norm(x)
    mx = x @ m.T
    mx_norm = _norm(mx)
    res_c = jnp.tanh(mx_norm / x_norm * artanh(sqrt_c * x_norm)) * mx / (mx_norm * sqrt_c)
    cond = jnp.all(mx == 0.0, axis=-1, keepdims=True)
    return jnp.where(cond, jnp.zeros_like(res_c), res_c)


def setup_inputs(seed: int = 0) -> dict:
    key = jax.random.key(seed)
    k1, k2, k3, k4 = jax.random.split(key, 4)
    x = jax.random.normal(k1, (N_NODES, D_IN), dtype=jnp.float32)
    # place node features on the Poincare ball
    x = proj(expmap0(0.05 * x, C_IN), C_IN)
    edge_index = jax.random.randint(k2, (2, N_EDGES), 0, N_NODES, dtype=jnp.int32)
    # HypLinear params: weight [out, in] xavier(gain=sqrt(2)), bias ~ small (nonzero for a nontrivial reference)
    std = np.sqrt(2.0) * np.sqrt(2.0 / (D_IN + D_OUT))
    weight = std * jax.random.normal(k3, (D_OUT, D_IN), dtype=jnp.float32)
    bias = 0.01 * jax.random.normal(k4, (D_OUT,), dtype=jnp.float32)
    return {"x": x, "edge_index": edge_index, "weight": weight, "bias": bias}


def reference(x, edge_index, weight, bias):
    N = x.shape[0]
    # ---- HypLinear (dropout=0 / eval) ----
    mv = mobius_matvec(weight, x, C_IN)
    res = proj(mv, C_IN)
    hyp_bias = proj(expmap0(bias.reshape(1, -1), C_IN), C_IN)  # proj_tan0 is identity on Poincare ball
    res = proj(mobius_add(res, hyp_bias, C_IN), C_IN)
    # ---- HypAgg (use_att=False): support_t = spmm(adj_row_norm, logmap0(h)) ----
    x_tangent = logmap0(res, C_IN)
    src = edge_index[0]
    dst = edge_index[1]
    deg = jax.ops.segment_sum(jnp.ones((src.shape[0],), x.dtype), dst, num_segments=N)
    inv_deg = 1.0 / jnp.maximum(deg, 1.0)
    gathered = jnp.take(x_tangent, src, axis=0)
    support_t = jax.ops.segment_sum(gathered, dst, num_segments=N) * inv_deg[:, None]
    h = proj(expmap0(support_t, C_IN), C_IN)
    # ---- HypAct ----
    xt = jax.nn.relu(logmap0(h, C_IN))
    out = proj(expmap0(xt, C_OUT), C_OUT)
    return out

if __name__ == "__main__":
    import jax
    _d = setup_inputs()
    print(jax.jit(kernel)(*tuple(_d.values())))

</pallas_src>

<mosaic_0001>
#map = affine_map<(d0, d1) -> (0, 0, 0, 0)>
#map1 = affine_map<(d0, d1) -> (0, 0)>
module attributes {stable_mosaic.version = 14 : i64} {
  func.func @k(%arg0: i32, %arg1: i32, %arg2: memref<2x16x250x80xi32, #tpu.memory_space<hbm>>, %arg3: memref<10000x128xf32, #tpu.memory_space<hbm>>, %arg4: memref<250x80xi32, #tpu.memory_space<vmem>>, %arg5: memref<80x128xf32, #tpu.memory_space<vmem>>, %arg6: memref<16x128xf32, #tpu.memory_space<vmem>>, %arg7: memref<320x128xf32, #tpu.memory_space<vmem>>, %arg8: memref<8x128xf32, #tpu.memory_space<vmem>>, %arg9: memref<8x128xf32, #tpu.memory_space<vmem>>, %arg10: memref<96x128xf32, #tpu.memory_space<vmem_shared>>, %arg11: memref<16x80x128xf32, #tpu.memory_space<vmem_shared>>) attributes {dimension_semantics = [#tpu.dimension_semantics<core_parallel>, #tpu.dimension_semantics<subcore_parallel>], iteration_bounds = array<i64: 2, 16>, scalar_prefetch = 0 : i64, scratch_operands = 8 : i64, tpu.core_type = #tpu.core_type<sc_vector_subcore>, window_params = [{transform_indices = #map}, {transform_indices = #map1}]} {
    %broadcast_in_dim3A = arith.constant 0.000000e+00 : f32
    %broadcast_in_dim3A_0 = vector.broadcast %broadcast_in_dim3A : f32 to vector<16xf32>
    %iota3A = tpu.iota {dimensions = array<i32: 0>} : vector<16xi32>
    %scan3A = arith.constant 0 : i32
    %scan3A_1 = arith.constant 80 : i32
    %scan3A_2 = arith.addi %scan3A, %scan3A_1 : i32
    %scan3A_3 = arith.constant 1 : i32
    scf.for %scan3A_38 = %scan3A to %scan3A_2 step %scan3A_3  : i32 {
      %mul3A_39 = arith.constant 1 : i32
      %mul3A_40 = arith.muli %scan3A_38, %mul3A_39 : i32
      %add3A_41 = arith.constant 0 : i32
      %add3A_42 = arith.addi %add3A_41, %mul3A_40 : i32
      %scan3A_43 = arith.constant 0 : i32
      %scan3A_44 = arith.constant 8 : i32
      %scan3A_45 = arith.addi %scan3A_43, %scan3A_44 : i32
      %scan3A_46 = arith.constant 1 : i32
      scf.for %scan3A_48 = %scan3A_43 to %scan3A_45 step %scan3A_46  : i32 {
        %mul3A_49 = arith.constant 1 : i32
        %mul3A_50 = arith.muli %scan3A_48, %mul3A_49 : i32
        %add3A_51 = arith.constant 0 : i32
        %add3A_52 = arith.addi %add3A_51, %mul3A_50 : i32
        %mul3A_53 = arith.constant 16 : i32
        %mul3A_54 = arith.muli %add3A_52, %mul3A_53 : i32
        %swap3A = arith.index_cast %add3A_42 : i32 to index
        %swap3A_55 = arith.index_cast %mul3A_54 : i32 to index
        %swap3A_56 = tpu.vector_load %arg5[%swap3A, %swap3A_55] {strides = array<i32>} : memref<80x128xf32, #tpu.memory_space<vmem>>, vector<16xf32>,
        tpu.vector_store %arg5[%swap3A, %swap3A_55], %broadcast_in_dim3A_0 {strides = array<i32>} : memref<80x128xf32, #tpu.memory_space<vmem>>, vector<16xf32>,
      }
      %scan3A_47 = arith.constant 8 : i32
    }
    %scan3A_4 = arith.constant 80 : i32
    %run_scoped3A = arith.constant 1 : i32
    "tpu.region"() ({
      %run_scoped3A_38 = tpu.sem_alloc : memref<!tpu.dma_semaphore, #tpu.memory_space<semaphore_mem>>
      %dma_start3A = arith.constant 0 : i32
      %dma_start3A_39 = arith.constant 0 : i32
      %dma_start3A_40 = tpu.memref_slice %arg2[%run_scoped3A, %arg1, %dma_start3A, %dma_start3A_39] : memref<2x16x250x80xi32, #tpu.memory_space<hbm>> -> memref<1x1x250x80xi32, #tpu.memory_space<hbm>>
      %dma_start3A_41 = tpu.memref_squeeze %dma_start3A_40 : memref<1x1x250x80xi32, #tpu.memory_space<hbm>> -> memref<250x80xi32, #tpu.memory_space<hbm>>
      %dma_start3A_42 = arith.constant 0 : i32
      %dma_start3A_43 = arith.constant 0 : i32
      %dma_start3A_44 = tpu.memref_slice %arg2[%run_scoped3A, %arg1, %dma_start3A_42, %dma_start3A_43] : memref<2x16x250x80xi32, #tpu.memory_space<hbm>> -> memref<1x1x250x80xi32, #tpu.memory_space<hbm>>
      %dma_start3A_45 = tpu.memref_squeeze %dma_start3A_44 : memref<1x1x250x80xi32, #tpu.memory_space<hbm>> -> memref<250x80xi32, #tpu.memory_space<hbm>>
      tpu.enqueue_dma source(%dma_start3A_45 : memref<250x80xi32, #tpu.memory_space<hbm>>) target(%arg4 : memref<250x80xi32, #tpu.memory_space<vmem>>) target_semaphore(%run_scoped3A_38 : memref<!tpu.dma_semaphore, #tpu.memory_space<semaphore_mem>>)
      %dma_wait3A = arith.constant 0 : i32
      %dma_wait3A_46 = arith.constant 0 : i32
      %dma_wait3A_47 = tpu.memref_slice %arg2[%run_scoped3A, %arg1, %dma_wait3A, %dma_wait3A_46] : memref<2x16x250x80xi32, #tpu.memory_space<hbm>> -> memref<1x1x250x80xi32, #tpu.memory_space<hbm>>
      %dma_wait3A_48 = tpu.memref_squeeze %dma_wait3A_47 : memref<1x1x250x80xi32, #tpu.memory_space<hbm>> -> memref<250x80xi32, #tpu.memory_space<hbm>>
      %dma_wait3A_49 = arith.constant 0 : i32
      %dma_wait3A_50 = arith.constant 0 : i32
      %dma_wait3A_51 = tpu.memref_slice %arg2[%run_scoped3A, %arg1, %dma_wait3A_49, %dma_wait3A_50] : memref<2x16x250x80xi32, #tpu.memory_space<hbm>> -> memref<1x1x250x80xi32, #tpu.memory_space<hbm>>
      %dma_wait3A_52 = tpu.memref_squeeze %dma_wait3A_51 : memref<1x1x250x80xi32, #tpu.memory_space<hbm>> -> memref<250x80xi32, #tpu.memory_space<hbm>>
      tpu.wait_dma2 semaphore(%run_scoped3A_38 : memref<!tpu.dma_semaphore, #tpu.memory_space<semaphore_mem>>) src(%dma_wait3A_52 : memref<250x80xi32, #tpu.memory_space<hbm>>) dst(%arg4 : memref<250x80xi32, #tpu.memory_space<vmem>>)
      tpu.yield
    }) : () -> ()
    %lt3A = arith.constant 12 : i32
    %lt3A_5 = arith.cmpi slt, %arg1, %lt3A : i32
    %convert_element_type3A = arith.extui %lt3A_5 : i1 to i32
    %cond3A = arith.constant 0 : i32
    %cond3A_6 = arith.cmpi ne, %convert_element_type3A, %cond3A : i32
    scf.if %cond3A_6 {
      %mul3A_38 = arith.constant 8 : i32
      %mul3A_39 = arith.muli %arg1, %mul3A_38 : i32
      "tpu.region"() ({
        %run_scoped3A_40 = tpu.sem_alloc : memref<!tpu.dma_semaphore, #tpu.memory_space<semaphore_mem>>
        %dma_start3A = arith.constant 0 : i32
        %dma_start3A_41 = arith.constant 0 : i32
        %dma_start3A_42 = tpu.memref_slice %arg5[%dma_start3A, %dma_start3A_41] : memref<80x128xf32, #tpu.memory_space<vmem>> -> memref<8x128xf32, #tpu.memory_space<vmem>>
        %dma_start3A_43 = arith.constant 0 : i32
        %dma_start3A_44 = tpu.memref_slice %arg10[%mul3A_39, %dma_start3A_43] : memref<96x128xf32, #tpu.memory_space<vmem_shared>> -> memref<8x128xf32, #tpu.memory_space<vmem_shared>>
        %dma_start3A_45 = arith.constant 0 : i32
        %dma_start3A_46 = tpu.memref_slice %arg10[%mul3A_39, %dma_start3A_45] : memref<96x128xf32, #tpu.memory_space<vmem_shared>> -> memref<8x128xf32, #tpu.memory_space<vmem_shared>>
        %dma_start3A_47 = arith.constant 0 : i32
        %dma_start3A_48 = arith.constant 0 : i32
        %dma_start3A_49 = tpu.memref_slice %arg5[%dma_start3A_47, %dma_start3A_48] : memref<80x128xf32, #tpu.memory_space<vmem>> -> memref<8x128xf32, #tpu.memory_space<vmem>>
        tpu.enqueue_dma source(%dma_start3A_49 : memref<8x128xf32, #tpu.memory_space<vmem>>) target(%dma_start3A_46 : memref<8x128xf32, #tpu.memory_space<vmem_shared>>) target_semaphore(%run_scoped3A_40 : memref<!tpu.dma_semaphore, #tpu.memory_space<semaphore_mem>>)
        %dma_wait3A = arith.constant 0 : i32
        %dma_wait3A_50 = arith.constant 0 : i32
        %dma_wait3A_51 = tpu.memref_slice %arg5[%dma_wait3A, %dma_wait3A_50] : memref<80x128xf32, #tpu.memory_space<vmem>> -> memref<8x128xf32, #tpu.memory_space<vmem>>
        %dma_wait3A_52 = arith.constant 0 : i32
        %dma_wait3A_53 = tpu.memref_slice %arg10[%mul3A_39, %dma_wait3A_52] : memref<96x128xf32, #tpu.memory_space<vmem_shared>> -> memref<8x128xf32, #tpu.memory_space<vmem_shared>>
        %dma_wait3A_54 = arith.constant 0 : i32
        %dma_wait3A_55 = tpu.memref_slice %arg10[%mul3A_39, %dma_wait3A_54] : memref<96x128xf32, #tpu.memory_space<vmem_shared>> -> memref<8x128xf32, #tpu.memory_space<vmem_shared>>
        %dma_wait3A_56 = arith.constant 0 : i32
        %dma_wait3A_57 = arith.constant 0 : i32
        %dma_wait3A_58 = tpu.memref_slice %arg5[%dma_wait3A_56, %dma_wait3A_57] : memref<80x128xf32, #tpu.memory_space<vmem>> -> memref<8x128xf32, #tpu.memory_space<vmem>>
        tpu.wait_dma2 semaphore(%run_scoped3A_40 : memref<!tpu.dma_semaphore, #tpu.memory_space<semaphore_mem>>) src(%dma_wait3A_58 : memref<8x128xf32, #tpu.memory_space<vmem>>) dst(%dma_wait3A_55 : memref<8x128xf32, #tpu.memory_space<vmem_shared>>)
        tpu.yield
      }) : () -> ()
    } else {
    }
    %barrier3A = arith.constant 0 : index
    tpu.barrier barrier_id(%barrier3A)
    %add3A = arith.constant 1.000000e+00 : f32
    %add3A_7 = vector.broadcast %add3A : f32 to vector<16xf32>
    %add3A_8 = arith.addf %broadcast_in_dim3A_0, %add3A_7 : vector<16xf32>
    %scan3A_9 = arith.constant 0 : i32
    %scan3A_10 = arith.constant 250 : i32
    %scan3A_11 = arith.addi %scan3A_9, %scan3A_10 : i32
    %scan3A_12 = arith.constant 1 : i32
    scf.for %scan3A_38 = %scan3A_9 to %scan3A_11 step %scan3A_12  : i32 {
      %mul3A_39 = arith.constant 1 : i32
      %mul3A_40 = arith.muli %scan3A_38, %mul3A_39 : i32
      %add3A_41 = arith.constant 0 : i32
      %add3A_42 = arith.addi %add3A_41, %mul3A_40 : i32
      %scan3A_43 = arith.constant 0 : i32
      %scan3A_44 = arith.constant 5 : i32
      %scan3A_45 = arith.addi %scan3A_43, %scan3A_44 : i32
      %scan3A_46 = arith.constant 1 : i32
      scf.for %scan3A_48 = %scan3A_43 to %scan3A_45 step %scan3A_46  : i32 {
        %mul3A_49 = arith.constant 1 : i32
        %mul3A_50 = arith.muli %scan3A_48, %mul3A_49 : i32
        %add3A_51 = arith.constant 0 : i32
        %add3A_52 = arith.addi %add3A_51, %mul3A_50 : i32
        %mul3A_53 = arith.constant 16 : i32
        %mul3A_54 = arith.muli %add3A_52, %mul3A_53 : i32
        %get3A = arith.index_cast %add3A_42 : i32 to index
        %get3A_55 = arith.index_cast %mul3A_54 : i32 to index
        %get3A_56 = tpu.vector_load %arg4[%get3A, %get3A_55] {strides = array<i32>} : memref<250x80xi32, #tpu.memory_space<vmem>>, vector<16xi32>,
        %shift_right_arithmetic3A_57 = arith.constant 7 : i32
        %shift_right_arithmetic3A_58 = vector.broadcast %shift_right_arithmetic3A_57 : i32 to vector<16xi32>
        %shift_right_arithmetic3A_59 = arith.shrsi %get3A_56, %shift_right_arithmetic3A_58 : vector<16xi32>
        %and3A_60 = arith.constant 127 : i32
        %and3A_61 = vector.broadcast %and3A_60 : i32 to vector<16xi32>
        %and3A_62 = arith.andi %get3A_56, %and3A_61 : vector<16xi32>
        tpu.vector_store_idx %arg5[%shift_right_arithmetic3A_59, %and3A_62], %add3A_8 {add = true} : memref<80x128xf32, #tpu.memory_space<vmem>>[vector<16xi32>, vector<16xi32>], vector<16xf32>,
      }
      %scan3A_47 = arith.constant 5 : i32
    }
    %scan3A_13 = arith.constant 250 : i32
    "tpu.region"() ({
      %run_scoped3A_38 = tpu.sem_alloc : memref<!tpu.dma_semaphore, #tpu.memory_space<semaphore_mem>>
      %dma_start3A = arith.constant 0 : i32
      %dma_start3A_39 = arith.constant 0 : i32
      %dma_start3A_40 = tpu.memref_slice %arg11[%arg1, %dma_start3A, %dma_start3A_39] : memref<16x80x128xf32, #tpu.memory_space<vmem_shared>> -> memref<1x80x128xf32, #tpu.memory_space<vmem_shared>>
      %dma_start3A_41 = tpu.memref_squeeze %dma_start3A_40 : memref<1x80x128xf32, #tpu.memory_space<vmem_shared>> -> memref<80x128xf32, #tpu.memory_space<vmem_shared>>
      %dma_start3A_42 = arith.constant 0 : i32
      %dma_start3A_43 = arith.constant 0 : i32
      %dma_start3A_44 = tpu.memref_slice %arg11[%arg1, %dma_start3A_42, %dma_start3A_43] : memref<16x80x128xf32, #tpu.memory_space<vmem_shared>> -> memref<1x80x128xf32, #tpu.memory_space<vmem_shared>>
      %dma_start3A_45 = tpu.memref_squeeze %dma_start3A_44 : memref<1x80x128xf32, #tpu.memory_space<vmem_shared>> -> memref<80x128xf32, #tpu.memory_space<vmem_shared>>
      tpu.enqueue_dma source(%arg5 : memref<80x128xf32, #tpu.memory_space<vmem>>) target(%dma_start3A_45 : memref<80x128xf32, #tpu.memory_space<vmem_shared>>) target_semaphore(%run_scoped3A_38 : memref<!tpu.dma_semaphore, #tpu.memory_space<semaphore_mem>>)
      %dma_wait3A = arith.constant 0 : i32
      %dma_wait3A_46 = arith.constant 0 : i32
      %dma_wait3A_47 = tpu.memref_slice %arg11[%arg1, %dma_wait3A, %dma_wait3A_46] : memref<16x80x128xf32, #tpu.memory_space<vmem_shared>> -> memref<1x80x128xf32, #tpu.memory_space<vmem_shared>>
      %dma_wait3A_48 = tpu.memref_squeeze %dma_wait3A_47 : memref<1x80x128xf32, #tpu.memory_space<vmem_shared>> -> memref<80x128xf32, #tpu.memory_space<vmem_shared>>
      %dma_wait3A_49 = arith.constant 0 : i32
      %dma_wait3A_50 = arith.constant 0 : i32
      %dma_wait3A_51 = tpu.memref_slice %arg11[%arg1, %dma_wait3A_49, %dma_wait3A_50] : memref<16x80x128xf32, #tpu.memory_space<vmem_shared>> -> memref<1x80x128xf32, #tpu.memory_space<vmem_shared>>
      %dma_wait3A_52 = tpu.memref_squeeze %dma_wait3A_51 : memref<1x80x128xf32, #tpu.memory_space<vmem_shared>> -> memref<80x128xf32, #tpu.memory_space<vmem_shared>>
      tpu.wait_dma2 semaphore(%run_scoped3A_38 : memref<!tpu.dma_semaphore, #tpu.memory_space<semaphore_mem>>) src(%arg5 : memref<80x128xf32, #tpu.memory_space<vmem>>) dst(%dma_wait3A_52 : memref<80x128xf32, #tpu.memory_space<vmem_shared>>)
      tpu.yield
    }) : () -> ()
    %barrier3A_14 = arith.constant 0 : index
    tpu.barrier barrier_id(%barrier3A_14)
    %lt3A_15 = arith.constant 10 : i32
    %lt3A_16 = arith.cmpi slt, %arg1, %lt3A_15 : i32
    %convert_element_type3A_17 = arith.extui %lt3A_16 : i1 to i32
    %cond3A_18 = arith.constant 0 : i32
    %cond3A_19 = arith.cmpi ne, %convert_element_type3A_17, %cond3A_18 : i32
    scf.if %cond3A_19 {
      %mul3A_38 = arith.constant 8 : i32
      %mul3A_39 = arith.muli %arg1, %mul3A_38 : i32
      %scan3A_40 = arith.constant 0 : i32
      %scan3A_41 = arith.constant 8 : i32
      %scan3A_42 = arith.addi %scan3A_40, %scan3A_41 : i32
      %scan3A_43 = arith.constant 1 : i32
      scf.for %scan3A_50 = %scan3A_40 to %scan3A_42 step %scan3A_43  : i32 {
        %mul3A_51 = arith.constant 1 : i32
        %mul3A_52 = arith.muli %scan3A_50, %mul3A_51 : i32
        %add3A_53 = arith.constant 0 : i32
        %add3A_54 = arith.addi %add3A_53, %mul3A_52 : i32
        %scan3A_55 = arith.constant 0 : i32
        %scan3A_56 = arith.constant 8 : i32
        %scan3A_57 = arith.addi %scan3A_55, %scan3A_56 : i32
        %scan3A_58 = arith.constant 1 : i32
        scf.for %scan3A_60 = %scan3A_55 to %scan3A_57 step %scan3A_58  : i32 {
          %mul3A_61 = arith.constant 1 : i32
          %mul3A_62 = arith.muli %scan3A_60, %mul3A_61 : i32
          %add3A_63 = arith.constant 0 : i32
          %add3A_64 = arith.addi %add3A_63, %mul3A_62 : i32
          %mul3A_65 = arith.constant 16 : i32
          %mul3A_66 = arith.muli %add3A_64, %mul3A_65 : i32
          %swap3A = arith.index_cast %add3A_54 : i32 to index
          %swap3A_67 = arith.index_cast %mul3A_66 : i32 to index
          %swap3A_68 = tpu.vector_load %arg9[%swap3A, %swap3A_67] {strides = array<i32>} : memref<8x128xf32, #tpu.memory_space<vmem>>, vector<16xf32>,
          tpu.vector_store %arg9[%swap3A, %swap3A_67], %broadcast_in_dim3A_0 {strides = array<i32>} : memref<8x128xf32, #tpu.memory_space<vmem>>, vector<16xf32>,
        }
        %scan3A_59 = arith.constant 8 : i32
      }
      %scan3A_44 = arith.constant 8 : i32
      %scan3A_45 = arith.constant 0 : i32
      %scan3A_46 = arith.constant 16 : i32
      %scan3A_47 = arith.addi %scan3A_45, %scan3A_46 : i32
      %scan3A_48 = arith.constant 1 : i32
      scf.for %scan3A_50 = %scan3A_45 to %scan3A_47 step %scan3A_48  : i32 {
        %mul3A_51 = arith.constant 1 : i32
        %mul3A_52 = arith.muli %scan3A_50, %mul3A_51 : i32
        %add3A_53 = arith.constant 0 : i32
        %add3A_54 = arith.addi %add3A_53, %mul3A_52 : i32
        "tpu.region"() ({
          %run_scoped3A_60 = tpu.sem_alloc : memref<!tpu.dma_semaphore, #tpu.memory_space<semaphore_mem>>
          %dma_start3A = arith.constant 0 : i32
          %dma_start3A_61 = tpu.memref_slice %arg11[%add3A_54, %mul3A_39, %dma_start3A] : memref<16x80x128xf32, #tpu.memory_space<vmem_shared>> -> memref<1x8x128xf32, #tpu.memory_space<vmem_shared>>
          %dma_start3A_62 = tpu.memref_squeeze %dma_start3A_61 : memref<1x8x128xf32, #tpu.memory_space<vmem_shared>> -> memref<8x128xf32, #tpu.memory_space<vmem_shared>>
          %dma_start3A_63 = arith.constant 0 : i32
          %dma_start3A_64 = tpu.memref_slice %arg11[%add3A_54, %mul3A_39, %dma_start3A_63] : memref<16x80x128xf32, #tpu.memory_space<vmem_shared>> -> memref<1x8x128xf32, #tpu.memory_space<vmem_shared>>
          %dma_start3A_65 = tpu.memref_squeeze %dma_start3A_64 : memref<1x8x128xf32, #tpu.memory_space<vmem_shared>> -> memref<8x128xf32, #tpu.memory_space<vmem_shared>>
          tpu.enqueue_dma source(%dma_start3A_65 : memref<8x128xf32, #tpu.memory_space<vmem_shared>>) target(%arg8 : memref<8x128xf32, #tpu.memory_space<vmem>>) target_semaphore(%run_scoped3A_60 : memref<!tpu.dma_semaphore, #tpu.memory_space<semaphore_mem>>)
          %dma_wait3A = arith.constant 0 : i32
          %dma_wait3A_66 = tpu.memref_slice %arg11[%add3A_54, %mul3A_39, %dma_wait3A] : memref<16x80x128xf32, #tpu.memory_space<vmem_shared>> -> memref<1x8x128xf32, #tpu.memory_space<vmem_shared>>
          %dma_wait3A_67 = tpu.memref_squeeze %dma_wait3A_66 : memref<1x8x128xf32, #tpu.memory_space<vmem_shared>> -> memref<8x128xf32, #tpu.memory_space<vmem_shared>>
          %dma_wait3A_68 = arith.constant 0 : i32
          %dma_wait3A_69 = tpu.memref_slice %arg11[%add3A_54, %mul3A_39, %dma_wait3A_68] : memref<16x80x128xf32, #tpu.memory_space<vmem_shared>> -> memref<1x8x128xf32, #tpu.memory_space<vmem_shared>>
          %dma_wait3A_70 = tpu.memref_squeeze %dma_wait3A_69 : memref<1x8x128xf32, #tpu.memory_space<vmem_shared>> -> memref<8x128xf32, #tpu.memory_space<vmem_shared>>
          tpu.wait_dma2 semaphore(%run_scoped3A_60 : memref<!tpu.dma_semaphore, #tpu.memory_space<semaphore_mem>>) src(%dma_wait3A_70 : memref<8x128xf32, #tpu.memory_space<vmem_shared>>) dst(%arg8 : memref<8x128xf32, #tpu.memory_space<vmem>>)
          tpu.yield
        }) : () -> ()
        %scan3A_55 = arith.constant 0 : i32
        %scan3A_56 = arith.constant 8 : i32
        %scan3A_57 = arith.addi %scan3A_55, %scan3A_56 : i32
        %scan3A_58 = arith.constant 1 : i32
        scf.for %scan3A_60 = %scan3A_55 to %scan3A_57 step %scan3A_58  : i32 {
          %mul3A_61 = arith.constant 1 : i32
          %mul3A_62 = arith.muli %scan3A_60, %mul3A_61 : i32
          %add3A_63 = arith.constant 0 : i32
          %add3A_64 = arith.addi %add3A_63, %mul3A_62 : i32
          %scan3A_65 = arith.constant 0 : i32
          %scan3A_66 = arith.constant 8 : i32
          %scan3A_67 = arith.addi %scan3A_65, %scan3A_66 : i32
          %scan3A_68 = arith.constant 1 : i32
          scf.for %scan3A_70 = %scan3A_65 to %scan3A_67 step %scan3A_68  : i32 {
            %mul3A_71 = arith.constant 1 : i32
            %mul3A_72 = arith.muli %scan3A_70, %mul3A_71 : i32
            %add3A_73 = arith.constant 0 : i32
            %add3A_74 = arith.addi %add3A_73, %mul3A_72 : i32
            %mul3A_75 = arith.constant 16 : i32
            %mul3A_76 = arith.muli %add3A_74, %mul3A_75 : i32
            %get3A = arith.index_cast %add3A_64 : i32 to index
            %get3A_77 = arith.index_cast %mul3A_76 : i32 to index
            %get3A_78 = tpu.vector_load %arg9[%get3A, %get3A_77] {strides = array<i32>} : memref<8x128xf32, #tpu.memory_space<vmem>>, vector<16xf32>,
            %mul3A_79 = arith.constant 16 : i32
            %mul3A_80 = arith.muli %add3A_74, %mul3A_79 : i32
            %get3A_81 = arith.index_cast %add3A_64 : i32 to index
            %get3A_82 = arith.index_cast %mul3A_80 : i32 to index
            %get3A_83 = tpu.vector_load %arg8[%get3A_81, %get3A_82] {strides = array<i32>} : memref<8x128xf32, #tpu.memory_space<vmem>>, vector<16xf32>,
            %add3A_84 = arith.addf %get3A_78, %get3A_83 : vector<16xf32>
            %swap3A = arith.index_cast %add3A_64 : i32 to index
            %swap3A_85 = arith.index_cast %mul3A_76 : i32 to index
            %swap3A_86 = tpu.vector_load %arg9[%swap3A, %swap3A_85] {strides = array<i32>} : memref<8x128xf32, #tpu.memory_space<vmem>>, vector<16xf32>,
            tpu.vector_store %arg9[%swap3A, %swap3A_85], %add3A_84 {strides = array<i32>} : memref<8x128xf32, #tpu.memory_space<vmem>>, vector<16xf32>,
          }
          %scan3A_69 = arith.constant 8 : i32
        }
        %scan3A_59 = arith.constant 8 : i32
      }
      %scan3A_49 = arith.constant 16 : i32
      "tpu.region"() ({
        %run_scoped3A_50 = tpu.sem_alloc : memref<!tpu.dma_semaphore, #tpu.memory_space<semaphore_mem>>
        %dma_start3A = arith.constant 0 : i32
        %dma_start3A_51 = tpu.memref_slice %arg10[%mul3A_39, %dma_start3A] : memref<96x128xf32, #tpu.memory_space<vmem_shared>> -> memref<8x128xf32, #tpu.memory_space<vmem_shared>>
        %dma_start3A_52 = arith.constant 0 : i32
        %dma_start3A_53 = tpu.memref_slice %arg10[%mul3A_39, %dma_start3A_52] : memref<96x128xf32, #tpu.memory_space<vmem_shared>> -> memref<8x128xf32, #tpu.memory_space<vmem_shared>>
        tpu.enqueue_dma source(%arg9 : memref<8x128xf32, #tpu.memory_space<vmem>>) target(%dma_start3A_53 : memref<8x128xf32, #tpu.memory_space<vmem_shared>>) target_semaphore(%run_scoped3A_50 : memref<!tpu.dma_semaphore, #tpu.memory_space<semaphore_mem>>)
        %dma_wait3A = arith.constant 0 : i32
        %dma_wait3A_54 = tpu.memref_slice %arg10[%mul3A_39, %dma_wait3A] : memref<96x128xf32, #tpu.memory_space<vmem_shared>> -> memref<8x128xf32, #tpu.memory_space<vmem_shared>>
        %dma_wait3A_55 = arith.constant 0 : i32
        %dma_wait3A_56 = tpu.memref_slice %arg10[%mul3A_39, %dma_wait3A_55] : memref<96x128xf32, #tpu.memory_space<vmem_shared>> -> memref<8x128xf32, #tpu.memory_space<vmem_shared>>
        tpu.wait_dma2 semaphore(%run_scoped3A_50 : memref<!tpu.dma_semaphore, #tpu.memory_space<semaphore_mem>>) src(%arg9 : memref<8x128xf32, #tpu.memory_space<vmem>>) dst(%dma_wait3A_56 : memref<8x128xf32, #tpu.memory_space<vmem_shared>>)
        tpu.yield
      }) : () -> ()
    } else {
    }
    %barrier3A_20 = arith.constant 0 : index
    tpu.barrier barrier_id(%barrier3A_20)
    %mul3A = arith.constant 5000 : i32
    %mul3A_21 = arith.muli %arg0, %mul3A : i32
    %mul3A_22 = arith.constant 312 : i32
    %mul3A_23 = arith.muli %arg1, %mul3A_22 : i32
    %add3A_24 = arith.addi %mul3A_21, %mul3A_23 : i32
    %shift_right_arithmetic3A = arith.constant 7 : i32
    %shift_right_arithmetic3A_25 = arith.shrsi %add3A_24, %shift_right_arithmetic3A : i32
    %and3A = arith.constant -8 : i32
    %and3A_26 = arith.andi %shift_right_arithmetic3A_25, %and3A : i32
    "tpu.region"() ({
      %run_scoped3A_38 = tpu.sem_alloc : memref<!tpu.dma_semaphore, #tpu.memory_space<semaphore_mem>>
      %dma_start3A = arith.constant 0 : i32
      %dma_start3A_39 = tpu.memref_slice %arg10[%and3A_26, %dma_start3A] : memref<96x128xf32, #tpu.memory_space<vmem_shared>> -> memref<16x128xf32, #tpu.memory_space<vmem_shared>>
      %dma_start3A_40 = arith.constant 0 : i32
      %dma_start3A_41 = tpu.memref_slice %arg10[%and3A_26, %dma_start3A_40] : memref<96x128xf32, #tpu.memory_space<vmem_shared>> -> memref<16x128xf32, #tpu.memory_space<vmem_shared>>
      tpu.enqueue_dma source(%dma_start3A_41 : memref<16x128xf32, #tpu.memory_space<vmem_shared>>) target(%arg6 : memref<16x128xf32, #tpu.memory_space<vmem>>) target_semaphore(%run_scoped3A_38 : memref<!tpu.dma_semaphore, #tpu.memory_space<semaphore_mem>>)
      %dma_wait3A = arith.constant 0 : i32
      %dma_wait3A_42 = tpu.memref_slice %arg10[%and3A_26, %dma_wait3A] : memref<96x128xf32, #tpu.memory_space<vmem_shared>> -> memref<16x128xf32, #tpu.memory_space<vmem_shared>>
      %dma_wait3A_43 = arith.constant 0 : i32
      %dma_wait3A_44 = tpu.memref_slice %arg10[%and3A_26, %dma_wait3A_43] : memref<96x128xf32, #tpu.memory_space<vmem_shared>> -> memref<16x128xf32, #tpu.memory_space<vmem_shared>>
      tpu.wait_dma2 semaphore(%run_scoped3A_38 : memref<!tpu.dma_semaphore, #tpu.memory_space<semaphore_mem>>) src(%dma_wait3A_44 : memref<16x128xf32, #tpu.memory_space<vmem_shared>>) dst(%arg6 : memref<16x128xf32, #tpu.memory_space<vmem>>)
      tpu.yield
    }) : () -> ()
    %mul3A_27 = arith.constant 128 : i32
    %mul3A_28 = arith.muli %and3A_26, %mul3A_27 : i32
    %sub3A = arith.subi %add3A_24, %mul3A_28 : i32
    %scan3A_29 = arith.constant 0 : i32
    %scan3A_30 = arith.constant 20 : i32
    %scan3A_31 = arith.addi %scan3A_29, %scan3A_30 : i32
    %scan3A_32 = arith.constant 1 : i32
    scf.for %scan3A_38 = %scan3A_29 to %scan3A_31 step %scan3A_32  : i32 {
      %mul3A_39 = arith.constant 1 : i32
      %mul3A_40 = arith.muli %scan3A_38, %mul3A_39 : i32
      %add3A_41 = arith.constant 0 : i32
      %add3A_42 = arith.addi %add3A_41, %mul3A_40 : i32
      %mul3A_43 = arith.constant 16 : i32
      %mul3A_44 = arith.muli %add3A_42, %mul3A_43 : i32
      %add3A_45 = arith.addi %sub3A, %mul3A_44 : i32
      %add3A_46 = vector.broadcast %add3A_45 : i32 to vector<16xi32>
      %add3A_47 = arith.addi %iota3A, %add3A_46 : vector<16xi32>
      %shift_right_arithmetic3A_48 = arith.constant 7 : i32
      %shift_right_arithmetic3A_49 = vector.broadcast %shift_right_arithmetic3A_48 : i32 to vector<16xi32>
      %shift_right_arithmetic3A_50 = arith.shrsi %add3A_47, %shift_right_arithmetic3A_49 : vector<16xi32>
      %and3A_51 = arith.constant 127 : i32
      %and3A_52 = vector.broadcast %and3A_51 : i32 to vector<16xi32>
      %and3A_53 = arith.andi %add3A_47, %and3A_52 : vector<16xi32>
      %gather3A = tpu.vector_load_idx %arg6[%shift_right_arithmetic3A_50, %and3A_53] : memref<16x128xf32, #tpu.memory_space<vmem>>[vector<16xi32>, vector<16xi32>], vector<16xf32>,
      %mul3A_54 = arith.constant 16 : i32
      %mul3A_55 = arith.muli %add3A_42, %mul3A_54 : i32
      %add3A_56 = vector.broadcast %mul3A_55 : i32 to vector<16xi32>
      %add3A_57 = arith.addi %iota3A, %add3A_56 : vector<16xi32>
      %broadcast_in_dim3A_58 = arith.constant 0 : i32
      %broadcast_in_dim3A_59 = vector.broadcast %broadcast_in_dim3A_58 : i32 to vector<16xi32>
      tpu.vector_store_idx %arg7[%add3A_57, %broadcast_in_dim3A_59], %gather3A : memref<320x128xf32, #tpu.memory_space<vmem>>[vector<16xi32>, vector<16xi32>], vector<16xf32>,
    }
    %scan3A_33 = arith.constant 20 : i32
    "tpu.region"() ({
      %run_scoped3A_38 = tpu.sem_alloc : memref<!tpu.dma_semaphore, #tpu.memory_space<semaphore_mem>>
      %dma_start3A = arith.constant 0 : i32
      %dma_start3A_39 = arith.constant 0 : i32
      %dma_start3A_40 = tpu.memref_slice %arg7[%dma_start3A, %dma_start3A_39] : memref<320x128xf32, #tpu.memory_space<vmem>> -> memref<312x128xf32, #tpu.memory_space<vmem>>
      %dma_start3A_41 = arith.constant 0 : i32
      %dma_start3A_42 = tpu.memref_slice %arg3[%add3A_24, %dma_start3A_41] : memref<10000x128xf32, #tpu.memory_space<hbm>> -> memref<312x128xf32, #tpu.memory_space<hbm>>
      %dma_start3A_43 = arith.constant 0 : i32
      %dma_start3A_44 = tpu.memref_slice %arg3[%add3A_24, %dma_start3A_43] : memref<10000x128xf32, #tpu.memory_space<hbm>> -> memref<312x128xf32, #tpu.memory_space<hbm>>
      %dma_start3A_45 = arith.constant 0 : i32
      %dma_start3A_46 = arith.constant 0 : i32
      %dma_start3A_47 = tpu.memref_slice %arg7[%dma_start3A_45, %dma_start3A_46] : memref<320x128xf32, #tpu.memory_space<vmem>> -> memref<312x128xf32, #tpu.memory_space<vmem>>
      tpu.enqueue_dma source(%dma_start3A_47 : memref<312x128xf32, #tpu.memory_space<vmem>>) target(%dma_start3A_44 : memref<312x128xf32, #tpu.memory_space<hbm>>) target_semaphore(%run_scoped3A_38 : memref<!tpu.dma_semaphore, #tpu.memory_space<semaphore_mem>>)
      %dma_wait3A = arith.constant 0 : i32
      %dma_wait3A_48 = arith.constant 0 : i32
      %dma_wait3A_49 = tpu.memref_slice %arg7[%dma_wait3A, %dma_wait3A_48] : memref<320x128xf32, #tpu.memory_space<vmem>> -> memref<312x128xf32, #tpu.memory_space<vmem>>
      %dma_wait3A_50 = arith.constant 0 : i32
      %dma_wait3A_51 = tpu.memref_slice %arg3[%add3A_24, %dma_wait3A_50] : memref<10000x128xf32, #tpu.memory_space<hbm>> -> memref<312x128xf32, #tpu.memory_space<hbm>>
      %dma_wait3A_52 = arith.constant 0 : i32
      %dma_wait3A_53 = tpu.memref_slice %arg3[%add3A_24, %dma_wait3A_52] : memref<10000x128xf32, #tpu.memory_space<hbm>> -> memref<312x128xf32, #tpu.memory_space<hbm>>
      %dma_wait3A_54 = arith.constant 0 : i32
      %dma_wait3A_55 = arith.constant 0 : i32
      %dma_wait3A_56 = tpu.memref_slice %arg7[%dma_wait3A_54, %dma_wait3A_55] : memref<320x128xf32, #tpu.memory_space<vmem>> -> memref<312x128xf32, #tpu.memory_space<vmem>>
      tpu.wait_dma2 semaphore(%run_scoped3A_38 : memref<!tpu.dma_semaphore, #tpu.memory_space<semaphore_mem>>) src(%dma_wait3A_56 : memref<312x128xf32, #tpu.memory_space<vmem>>) dst(%dma_wait3A_53 : memref<312x128xf32, #tpu.memory_space<hbm>>)
      tpu.yield
    }) : () -> ()
    %eq3A = arith.constant 15 : i32
    %eq3A_34 = arith.cmpi eq, %arg1, %eq3A : i32
    %convert_element_type3A_35 = arith.extui %eq3A_34 : i1 to i32
    %cond3A_36 = arith.constant 0 : i32
    %cond3A_37 = arith.cmpi ne, %convert_element_type3A_35, %cond3A_36 : i32
    scf.if %cond3A_37 {
      %add3A_38 = arith.constant 312 : i32
      %add3A_39 = arith.addi %add3A_24, %add3A_38 : i32
      "tpu.region"() ({
        %run_scoped3A_40 = tpu.sem_alloc : memref<!tpu.dma_semaphore, #tpu.memory_space<semaphore_mem>>
        %dma_start3A = arith.constant 312 : i32
        %dma_start3A_41 = arith.constant 0 : i32
        %dma_start3A_42 = tpu.memref_slice %arg7[%dma_start3A, %dma_start3A_41] : memref<320x128xf32, #tpu.memory_space<vmem>> -> memref<8x128xf32, #tpu.memory_space<vmem>>
        %dma_start3A_43 = arith.constant 0 : i32
        %dma_start3A_44 = tpu.memref_slice %arg3[%add3A_39, %dma_start3A_43] : memref<10000x128xf32, #tpu.memory_space<hbm>> -> memref<8x128xf32, #tpu.memory_space<hbm>>
        %dma_start3A_45 = arith.constant 0 : i32
        %dma_start3A_46 = tpu.memref_slice %arg3[%add3A_39, %dma_start3A_45] : memref<10000x128xf32, #tpu.memory_space<hbm>> -> memref<8x128xf32, #tpu.memory_space<hbm>>
        %dma_start3A_47 = arith.constant 312 : i32
        %dma_start3A_48 = arith.constant 0 : i32
        %dma_start3A_49 = tpu.memref_slice %arg7[%dma_start3A_47, %dma_start3A_48] : memref<320x128xf32, #tpu.memory_space<vmem>> -> memref<8x128xf32, #tpu.memory_space<vmem>>
        tpu.enqueue_dma source(%dma_start3A_49 : memref<8x128xf32, #tpu.memory_space<vmem>>) target(%dma_start3A_46 : memref<8x128xf32, #tpu.memory_space<hbm>>) target_semaphore(%run_scoped3A_40 : memref<!tpu.dma_semaphore, #tpu.memory_space<semaphore_mem>>)
        %dma_wait3A = arith.constant 312 : i32
        %dma_wait3A_50 = arith.constant 0 : i32
        %dma_wait3A_51 = tpu.memref_slice %arg7[%dma_wait3A, %dma_wait3A_50] : memref<320x128xf32, #tpu.memory_space<vmem>> -> memref<8x128xf32, #tpu.memory_space<vmem>>
        %dma_wait3A_52 = arith.constant 0 : i32
        %dma_wait3A_53 = tpu.memref_slice %arg3[%add3A_39, %dma_wait3A_52] : memref<10000x128xf32, #tpu.memory_space<hbm>> -> memref<8x128xf32, #tpu.memory_space<hbm>>
        %dma_wait3A_54 = arith.constant 0 : i32
        %dma_wait3A_55 = tpu.memref_slice %arg3[%add3A_39, %dma_wait3A_54] : memref<10000x128xf32, #tpu.memory_space<hbm>> -> memref<8x128xf32, #tpu.memory_space<hbm>>
        %dma_wait3A_56 = arith.constant 312 : i32
        %dma_wait3A_57 = arith.constant 0 : i32
        %dma_wait3A_58 = tpu.memref_slice %arg7[%dma_wait3A_56, %dma_wait3A_57] : memref<320x128xf32, #tpu.memory_space<vmem>> -> memref<8x128xf32, #tpu.memory_space<vmem>>
        tpu.wait_dma2 semaphore(%run_scoped3A_40 : memref<!tpu.dma_semaphore, #tpu.memory_space<semaphore_mem>>) src(%dma_wait3A_58 : memref<8x128xf32, #tpu.memory_space<vmem>>) dst(%dma_wait3A_55 : memref<8x128xf32, #tpu.memory_space<hbm>>)
        tpu.yield
      }) : () -> ()
    } else {
    }
    return
  }
}

#map = affine_map<(d0, d1) -> (0, 0, 0, 0)>
#map1 = affine_map<(d0, d1) -> (0, 0)>
module attributes {stable_mosaic.version = 14 : i64} {
  func.func @k(%arg0: i32, %arg1: i32, %arg2: memref<2x16x250x80xi32, #tpu.memory_space<hbm>>, %arg3: memref<10000x128xf32, #tpu.memory_space<hbm>>, %arg4: memref<10000x128xf32, #tpu.memory_space<hbm>>, %arg5: memref<250x80xi32, #tpu.memory_space<vmem>>, %arg6: memref<250x80xi32, #tpu.memory_space<vmem>>, %arg7: memref<2x80x128xf32, #tpu.memory_space<vmem>>, %arg8: memref<24x128xf32, #tpu.memory_space<vmem>>, %arg9: memref<5008x128xf32, #tpu.memory_space<vmem_shared>>, %arg10: memref<2x!tpu.dma_semaphore, #tpu.memory_space<semaphore_mem>>, %arg11: memref<2x!tpu.dma_semaphore, #tpu.memory_space<semaphore_mem>>) attributes {dimension_semantics = [#tpu.dimension_semantics<core_parallel>, #tpu.dimension_semantics<subcore_parallel>], iteration_bounds = array<i64: 2, 16>, scalar_prefetch = 0 : i64, scratch_operands = 7 : i64, tpu.core_type = #tpu.core_type<sc_vector_subcore>, window_params = [{transform_indices = #map}, {transform_indices = #map1}, {transform_indices = #map1}]} {
    %broadcast_in_dim3A = arith.constant 0.000000e+00 : f32
    %broadcast_in_dim3A_0 = vector.broadcast %broadcast_in_dim3A : f32 to vector<16xf32>
    %scan3A = arith.constant 0 : i32
    %scan3A_1 = arith.constant 24 : i32
    %scan3A_2 = arith.addi %scan3A, %scan3A_1 : i32
    %scan3A_3 = arith.constant 1 : i32
    scf.for %scan3A_85 = %scan3A to %scan3A_2 step %scan3A_3  : i32 {
      %mul3A_86 = arith.constant 1 : i32
      %mul3A_87 = arith.muli %scan3A_85, %mul3A_86 : i32
      %add3A_88 = arith.constant 0 : i32
      %add3A_89 = arith.addi %add3A_88, %mul3A_87 : i32
      %scan3A_90 = arith.constant 0 : i32
      %scan3A_91 = arith.constant 8 : i32
      %scan3A_92 = arith.addi %scan3A_90, %scan3A_91 : i32
      %scan3A_93 = arith.constant 1 : i32
      scf.for %scan3A_95 = %scan3A_90 to %scan3A_92 step %scan3A_93  : i32 {
        %mul3A_96 = arith.constant 1 : i32
        %mul3A_97 = arith.muli %scan3A_95, %mul3A_96 : i32
        %add3A_98 = arith.constant 0 : i32
        %add3A_99 = arith.addi %add3A_98, %mul3A_97 : i32
        %mul3A_100 = arith.constant 16 : i32
        %mul3A_101 = arith.muli %add3A_99, %mul3A_100 : i32
        %swap3A = arith.index_cast %add3A_89 : i32 to index
        %swap3A_102 = arith.index_cast %mul3A_101 : i32 to index
        %swap3A_103 = tpu.vector_load %arg8[%swap3A, %swap3A_102] {strides = array<i32>} : memref<24x128xf32, #tpu.memory_space<vmem>>, vector<16xf32>,
        tpu.vector_store %arg8[%swap3A, %swap3A_102], %broadcast_in_dim3A_0 {strides = array<i32>} : memref<24x128xf32, #tpu.memory_space<vmem>>, vector<16xf32>,
      }
      %scan3A_94 = arith.constant 8 : i32
    }
    %scan3A_4 = arith.constant 24 : i32
    %mul3A = arith.constant 312 : i32
    %mul3A_5 = arith.muli %arg1, %mul3A : i32
    %scan3A_6 = arith.constant 0 : i32
    %scan3A_7 = arith.constant 13 : i32
    %scan3A_8 = arith.addi %scan3A_6, %scan3A_7 : i32
    %scan3A_9 = arith.constant 1 : i32
    scf.for %scan3A_85 = %scan3A_6 to %scan3A_8 step %scan3A_9  : i32 {
      %mul3A_86 = arith.constant 1 : i32
      %mul3A_87 = arith.muli %scan3A_85, %mul3A_86 : i32
      %add3A_88 = arith.constant 0 : i32
      %add3A_89 = arith.addi %add3A_88, %mul3A_87 : i32
      %mul3A_90 = arith.constant 24 : i32
      %mul3A_91 = arith.muli %add3A_89, %mul3A_90 : i32
      %add3A_92 = arith.addi %mul3A_5, %mul3A_91 : i32
      "tpu.region"() ({
        %run_scoped3A_93 = tpu.sem_alloc : memref<!tpu.dma_semaphore, #tpu.memory_space<semaphore_mem>>
        %dma_start3A_94 = arith.constant 0 : i32
        %dma_start3A_95 = tpu.memref_slice %arg9[%add3A_92, %dma_start3A_94] : memref<5008x128xf32, #tpu.memory_space<vmem_shared>> -> memref<24x128xf32, #tpu.memory_space<vmem_shared>>
        %dma_start3A_96 = arith.constant 0 : i32
        %dma_start3A_97 = tpu.memref_slice %arg9[%add3A_92, %dma_start3A_96] : memref<5008x128xf32, #tpu.memory_space<vmem_shared>> -> memref<24x128xf32, #tpu.memory_space<vmem_shared>>
        tpu.enqueue_dma source(%arg8 : memref<24x128xf32, #tpu.memory_space<vmem>>) target(%dma_start3A_97 : memref<24x128xf32, #tpu.memory_space<vmem_shared>>) target_semaphore(%run_scoped3A_93 : memref<!tpu.dma_semaphore, #tpu.memory_space<semaphore_mem>>)
        %dma_wait3A_98 = arith.constant 0 : i32
        %dma_wait3A_99 = tpu.memref_slice %arg9[%add3A_92, %dma_wait3A_98] : memref<5008x128xf32, #tpu.memory_space<vmem_shared>> -> memref<24x128xf32, #tpu.memory_space<vmem_shared>>
        %dma_wait3A_100 = arith.constant 0 : i32
        %dma_wait3A_101 = tpu.memref_slice %arg9[%add3A_92, %dma_wait3A_100] : memref<5008x128xf32, #tpu.memory_space<vmem_shared>> -> memref<24x128xf32, #tpu.memory_space<vmem_shared>>
        tpu.wait_dma2 semaphore(%run_scoped3A_93 : memref<!tpu.dma_semaphore, #tpu.memory_space<semaphore_mem>>) src(%arg8 : memref<24x128xf32, #tpu.memory_space<vmem>>) dst(%dma_wait3A_101 : memref<24x128xf32, #tpu.memory_space<vmem_shared>>)
        tpu.yield
      }) : () -> ()
    }
    %scan3A_10 = arith.constant 13 : i32
    %eq3A = arith.constant 15 : i32
    %eq3A_11 = arith.cmpi eq, %arg1, %eq3A : i32
    %convert_element_type3A = arith.extui %eq3A_11 : i1 to i32
    %cond3A = arith.constant 0 : i32
    %cond3A_12 = arith.cmpi ne, %convert_element_type3A, %cond3A : i32
    scf.if %cond3A_12 {
      "tpu.region"() ({
        %run_scoped3A_85 = tpu.sem_alloc : memref<!tpu.dma_semaphore, #tpu.memory_space<semaphore_mem>>
        %dma_start3A_86 = arith.constant 0 : i32
        %dma_start3A_87 = arith.constant 0 : i32
        %dma_start3A_88 = tpu.memref_slice %arg8[%dma_start3A_86, %dma_start3A_87] : memref<24x128xf32, #tpu.memory_space<vmem>> -> memref<16x128xf32, #tpu.memory_space<vmem>>
        %dma_start3A_89 = arith.constant 4992 : i32
        %dma_start3A_90 = arith.constant 0 : i32
        %dma_start3A_91 = tpu.memref_slice %arg9[%dma_start3A_89, %dma_start3A_90] : memref<5008x128xf32, #tpu.memory_space<vmem_shared>> -> memref<16x128xf32, #tpu.memory_space<vmem_shared>>
        %dma_start3A_92 = arith.constant 4992 : i32
        %dma_start3A_93 = arith.constant 0 : i32
        %dma_start3A_94 = tpu.memref_slice %arg9[%dma_start3A_92, %dma_start3A_93] : memref<5008x128xf32, #tpu.memory_space<vmem_shared>> -> memref<16x128xf32, #tpu.memory_space<vmem_shared>>
        %dma_start3A_95 = arith.constant 0 : i32
        %dma_start3A_96 = arith.constant 0 : i32
        %dma_start3A_97 = tpu.memref_slice %arg8[%dma_start3A_95, %dma_start3A_96] : memref<24x128xf32, #tpu.memory_space<vmem>> -> memref<16x128xf32, #tpu.memory_space<vmem>>
        tpu.enqueue_dma source(%dma_start3A_97 : memref<16x128xf32, #tpu.memory_space<vmem>>) target(%dma_start3A_94 : memref<16x128xf32, #tpu.memory_space<vmem_shared>>) target_semaphore(%run_scoped3A_85 : memref<!tpu.dma_semaphore, #tpu.memory_space<semaphore_mem>>)
        %dma_wait3A_98 = arith.constant 0 : i32
        %dma_wait3A_99 = arith.constant 0 : i32
        %dma_wait3A_100 = tpu.memref_slice %arg8[%dma_wait3A_98, %dma_wait3A_99] : memref<24x128xf32, #tpu.memory_space<vmem>> -> memref<16x128xf32, #tpu.memory_space<vmem>>
        %dma_wait3A_101 = arith.constant 4992 : i32
        %dma_wait3A_102 = arith.constant 0 : i32
        %dma_wait3A_103 = tpu.memref_slice %arg9[%dma_wait3A_101, %dma_wait3A_102] : memref<5008x128xf32, #tpu.memory_space<vmem_shared>> -> memref<16x128xf32, #tpu.memory_space<vmem_shared>>
        %dma_wait3A_104 = arith.constant 4992 : i32
        %dma_wait3A_105 = arith.constant 0 : i32
        %dma_wait3A_106 = tpu.memref_slice %arg9[%dma_wait3A_104, %dma_wait3A_105] : memref<5008x128xf32, #tpu.memory_space<vmem_shared>> -> memref<16x128xf32, #tpu.memory_space<vmem_shared>>
        %dma_wait3A_107 = arith.constant 0 : i32
        %dma_wait3A_108 = arith.constant 0 : i32
        %dma_wait3A_109 = tpu.memref_slice %arg8[%dma_wait3A_107, %dma_wait3A_108] : memref<24x128xf32, #tpu.memory_space<vmem>> -> memref<16x128xf32, #tpu.memory_space<vmem>>
        tpu.wait_dma2 semaphore(%run_scoped3A_85 : memref<!tpu.dma_semaphore, #tpu.memory_space<semaphore_mem>>) src(%dma_wait3A_109 : memref<16x128xf32, #tpu.memory_space<vmem>>) dst(%dma_wait3A_106 : memref<16x128xf32, #tpu.memory_space<vmem_shared>>)
        tpu.yield
      }) : () -> ()
    } else {
    }
    %run_scoped3A = arith.constant 0 : i32
    "tpu.region"() ({
      %run_scoped3A_85 = tpu.sem_alloc : memref<!tpu.dma_semaphore, #tpu.memory_space<semaphore_mem>>
      %dma_start3A_86 = arith.constant 0 : i32
      %dma_start3A_87 = arith.constant 0 : i32
      %dma_start3A_88 = tpu.memref_slice %arg2[%run_scoped3A, %arg1, %dma_start3A_86, %dma_start3A_87] : memref<2x16x250x80xi32, #tpu.memory_space<hbm>> -> memref<1x1x250x80xi32, #tpu.memory_space<hbm>>
      %dma_start3A_89 = tpu.memref_squeeze %dma_start3A_88 : memref<1x1x250x80xi32, #tpu.memory_space<hbm>> -> memref<250x80xi32, #tpu.memory_space<hbm>>
      %dma_start3A_90 = arith.constant 0 : i32
      %dma_start3A_91 = arith.constant 0 : i32
      %dma_start3A_92 = tpu.memref_slice %arg2[%run_scoped3A, %arg1, %dma_start3A_90, %dma_start3A_91] : memref<2x16x250x80xi32, #tpu.memory_space<hbm>> -> memref<1x1x250x80xi32, #tpu.memory_space<hbm>>
      %dma_start3A_93 = tpu.memref_squeeze %dma_start3A_92 : memref<1x1x250x80xi32, #tpu.memory_space<hbm>> -> memref<250x80xi32, #tpu.memory_space<hbm>>
      tpu.enqueue_dma source(%dma_start3A_93 : memref<250x80xi32, #tpu.memory_space<hbm>>) target(%arg5 : memref<250x80xi32, #tpu.memory_space<vmem>>) target_semaphore(%run_scoped3A_85 : memref<!tpu.dma_semaphore, #tpu.memory_space<semaphore_mem>>)
      %dma_wait3A_94 = arith.constant 0 : i32
      %dma_wait3A_95 = arith.constant 0 : i32
      %dma_wait3A_96 = tpu.memref_slice %arg2[%run_scoped3A, %arg1, %dma_wait3A_94, %dma_wait3A_95] : memref<2x16x250x80xi32, #tpu.memory_space<hbm>> -> memref<1x1x250x80xi32, #tpu.memory_space<hbm>>
      %dma_wait3A_97 = tpu.memref_squeeze %dma_wait3A_96 : memref<1x1x250x80xi32, #tpu.memory_space<hbm>> -> memref<250x80xi32, #tpu.memory_space<hbm>>
      %dma_wait3A_98 = arith.constant 0 : i32
      %dma_wait3A_99 = arith.constant 0 : i32
      %dma_wait3A_100 = tpu.memref_slice %arg2[%run_scoped3A, %arg1, %dma_wait3A_98, %dma_wait3A_99] : memref<2x16x250x80xi32, #tpu.memory_space<hbm>> -> memref<1x1x250x80xi32, #tpu.memory_space<hbm>>
      %dma_wait3A_101 = tpu.memref_squeeze %dma_wait3A_100 : memref<1x1x250x80xi32, #tpu.memory_space<hbm>> -> memref<250x80xi32, #tpu.memory_space<hbm>>
      tpu.wait_dma2 semaphore(%run_scoped3A_85 : memref<!tpu.dma_semaphore, #tpu.memory_space<semaphore_mem>>) src(%dma_wait3A_101 : memref<250x80xi32, #tpu.memory_space<hbm>>) dst(%arg5 : memref<250x80xi32, #tpu.memory_space<vmem>>)
      tpu.yield
    }) : () -> ()
    %run_scoped3A_13 = arith.constant 1 : i32
    "tpu.region"() ({
      %run_scoped3A_85 = tpu.sem_alloc : memref<!tpu.dma_semaphore, #tpu.memory_space<semaphore_mem>>
      %dma_start3A_86 = arith.constant 0 : i32
      %dma_start3A_87 = arith.constant 0 : i32
      %dma_start3A_88 = tpu.memref_slice %arg2[%run_scoped3A_13, %arg1, %dma_start3A_86, %dma_start3A_87] : memref<2x16x250x80xi32, #tpu.memory_space<hbm>> -> memref<1x1x250x80xi32, #tpu.memory_space<hbm>>
      %dma_start3A_89 = tpu.memref_squeeze %dma_start3A_88 : memref<1x1x250x80xi32, #tpu.memory_space<hbm>> -> memref<250x80xi32, #tpu.memory_space<hbm>>
      %dma_start3A_90 = arith.constant 0 : i32
      %dma_start3A_91 = arith.constant 0 : i32
      %dma_start3A_92 = tpu.memref_slice %arg2[%run_scoped3A_13, %arg1, %dma_start3A_90, %dma_start3A_91] : memref<2x16x250x80xi32, #tpu.memory_space<hbm>> -> memref<1x1x250x80xi32, #tpu.memory_space<hbm>>
      %dma_start3A_93 = tpu.memref_squeeze %dma_start3A_92 : memref<1x1x250x80xi32, #tpu.memory_space<hbm>> -> memref<250x80xi32, #tpu.memory_space<hbm>>
      tpu.enqueue_dma source(%dma_start3A_93 : memref<250x80xi32, #tpu.memory_space<hbm>>) target(%arg6 : memref<250x80xi32, #tpu.memory_space<vmem>>) target_semaphore(%run_scoped3A_85 : memref<!tpu.dma_semaphore, #tpu.memory_space<semaphore_mem>>)
      %dma_wait3A_94 = arith.constant 0 : i32
      %dma_wait3A_95 = arith.constant 0 : i32
      %dma_wait3A_96 = tpu.memref_slice %arg2[%run_scoped3A_13, %arg1, %dma_wait3A_94, %dma_wait3A_95] : memref<2x16x250x80xi32, #tpu.memory_space<hbm>> -> memref<1x1x250x80xi32, #tpu.memory_space<hbm>>
      %dma_wait3A_97 = tpu.memref_squeeze %dma_wait3A_96 : memref<1x1x250x80xi32, #tpu.memory_space<hbm>> -> memref<250x80xi32, #tpu.memory_space<hbm>>
      %dma_wait3A_98 = arith.constant 0 : i32
      %dma_wait3A_99 = arith.constant 0 : i32
      %dma_wait3A_100 = tpu.memref_slice %arg2[%run_scoped3A_13, %arg1, %dma_wait3A_98, %dma_wait3A_99] : memref<2x16x250x80xi32, #tpu.memory_space<hbm>> -> memref<1x1x250x80xi32, #tpu.memory_space<hbm>>
      %dma_wait3A_101 = tpu.memref_squeeze %dma_wait3A_100 : memref<1x1x250x80xi32, #tpu.memory_space<hbm>> -> memref<250x80xi32, #tpu.memory_space<hbm>>
      tpu.wait_dma2 semaphore(%run_scoped3A_85 : memref<!tpu.dma_semaphore, #tpu.memory_space<semaphore_mem>>) src(%dma_wait3A_101 : memref<250x80xi32, #tpu.memory_space<hbm>>) dst(%arg6 : memref<250x80xi32, #tpu.memory_space<vmem>>)
      tpu.yield
    }) : () -> ()
    %mul3A_14 = arith.constant 5000 : i32
    %mul3A_15 = arith.muli %arg0, %mul3A_14 : i32
    %scan3A_16 = arith.constant 0 : i32
    %scan3A_17 = arith.constant 250 : i32
    %scan3A_18 = arith.addi %scan3A_16, %scan3A_17 : i32
    %scan3A_19 = arith.constant 1 : i32
    scf.for %scan3A_85 = %scan3A_16 to %scan3A_18 step %scan3A_19  : i32 {
      %mul3A_86 = arith.constant 1 : i32
      %mul3A_87 = arith.muli %scan3A_85, %mul3A_86 : i32
      %add3A_88 = arith.constant 0 : i32
      %add3A_89 = arith.addi %add3A_88, %mul3A_87 : i32
      %scan3A_90 = arith.constant 0 : i32
      %scan3A_91 = arith.constant 5 : i32
      %scan3A_92 = arith.addi %scan3A_90, %scan3A_91 : i32
      %scan3A_93 = arith.constant 1 : i32
      scf.for %scan3A_95 = %scan3A_90 to %scan3A_92 step %scan3A_93  : i32 {
        %mul3A_96 = arith.constant 1 : i32
        %mul3A_97 = arith.muli %scan3A_95, %mul3A_96 : i32
        %add3A_98 = arith.constant 0 : i32
        %add3A_99 = arith.addi %add3A_98, %mul3A_97 : i32
        %mul3A_100 = arith.constant 16 : i32
        %mul3A_101 = arith.muli %add3A_99, %mul3A_100 : i32
        %get3A = arith.index_cast %add3A_89 : i32 to index
        %get3A_102 = arith.index_cast %mul3A_101 : i32 to index
        %get3A_103 = tpu.vector_load %arg6[%get3A, %get3A_102] {strides = array<i32>} : memref<250x80xi32, #tpu.memory_space<vmem>>, vector<16xi32>,
        %sub3A = vector.broadcast %mul3A_15 : i32 to vector<16xi32>
        %sub3A_104 = arith.subi %get3A_103, %sub3A : vector<16xi32>
        %ge3A = arith.constant 0 : i32
        %ge3A_105 = vector.broadcast %ge3A : i32 to vector<16xi32>
        %ge3A_106 = arith.cmpi sge, %sub3A_104, %ge3A_105 : vector<16xi32>
        %lt3A = arith.constant 5000 : i32
        %lt3A_107 = vector.broadcast %lt3A : i32 to vector<16xi32>
        %lt3A_108 = arith.cmpi slt, %sub3A_104, %lt3A_107 : vector<16xi32>
        %and3A = arith.andi %ge3A_106, %lt3A_108 : vector<16xi1>
        %jit3A = arith.constant 5000 : i32
        %broadcast_in_dim3A_109 = vector.broadcast %jit3A : i32 to vector<16xi32>
        %select_n3A = arith.select %and3A, %sub3A_104, %broadcast_in_dim3A_109 : vector<16xi1>, vector<16xi32>
        %mul3A_110 = arith.constant 16 : i32
        %mul3A_111 = arith.muli %add3A_99, %mul3A_110 : i32
        %swap3A = arith.index_cast %add3A_89 : i32 to index
        %swap3A_112 = arith.index_cast %mul3A_111 : i32 to index
        %swap3A_113 = tpu.vector_load %arg6[%swap3A, %swap3A_112] {strides = array<i32>} : memref<250x80xi32, #tpu.memory_space<vmem>>, vector<16xi32>,
        tpu.vector_store %arg6[%swap3A, %swap3A_112], %select_n3A {strides = array<i32>} : memref<250x80xi32, #tpu.memory_space<vmem>>, vector<16xi32>,
      }
      %scan3A_94 = arith.constant 5 : i32
    }
    %scan3A_20 = arith.constant 250 : i32
    %barrier3A = arith.constant 0 : index
    tpu.barrier barrier_id(%barrier3A)
    %dma_start3A = arith.constant 0 : i32
    %dma_start3A_21 = arith.constant 0 : i32
    %dma_start3A_22 = arith.constant 0 : i32
    %dma_start3A_23 = arith.constant 0 : i32
    %dma_start3A_24 = arith.constant 0 : i32
    %dma_start3A_25 = tpu.memref_slice %arg7[%dma_start3A_21, %dma_start3A_23, %dma_start3A_24] : memref<2x80x128xf32, #tpu.memory_space<vmem>> -> memref<1x80x128xf32, #tpu.memory_space<vmem>>
    %dma_start3A_26 = tpu.memref_squeeze %dma_start3A_25 : memref<1x80x128xf32, #tpu.memory_space<vmem>> -> memref<80x128xf32, #tpu.memory_space<vmem>>
    %dma_start3A_27 = arith.constant 0 : i32
    %dma_start3A_28 = tpu.memref_slice %arg5[%dma_start3A, %dma_start3A_27] : memref<250x80xi32, #tpu.memory_space<vmem>> -> memref<1x80xi32, #tpu.memory_space<vmem>>
    %dma_start3A_29 = tpu.memref_squeeze %dma_start3A_28 : memref<1x80xi32, #tpu.memory_space<vmem>> -> memref<80xi32, #tpu.memory_space<vmem>>
    %dma_start3A_30 = arith.constant 0 : i32
    %dma_start3A_31 = arith.constant 0 : i32
    %dma_start3A_32 = tpu.memref_slice %arg3[%dma_start3A_30, %dma_start3A_31] : memref<10000x128xf32, #tpu.memory_space<hbm>> -> memref<10000x128xf32, #tpu.memory_space<hbm>>
    %dma_start3A_33 = tpu.memref_slice %arg10[%dma_start3A_22] : memref<2x!tpu.dma_semaphore, #tpu.memory_space<semaphore_mem>> -> memref<1x!tpu.dma_semaphore, #tpu.memory_space<semaphore_mem>>
    %dma_start3A_34 = tpu.memref_squeeze %dma_start3A_33 : memref<1x!tpu.dma_semaphore, #tpu.memory_space<semaphore_mem>> -> memref<!tpu.dma_semaphore, #tpu.memory_space<semaphore_mem>>
    tpu.enqueue_indirect_dma source(%dma_start3A_32 : memref<10000x128xf32, #tpu.memory_space<hbm>>) target(%dma_start3A_26 : memref<80x128xf32, #tpu.memory_space<vmem>>) offsets(%dma_start3A_29 : memref<80xi32, #tpu.memory_space<vmem>>) semaphore(%dma_start3A_34 : memref<!tpu.dma_semaphore, #tpu.memory_space<semaphore_mem>>)
    %dma_start3A_35 = arith.constant 1 : i32
    %dma_start3A_36 = arith.constant 1 : i32
    %dma_start3A_37 = arith.constant 1 : i32
    %dma_start3A_38 = arith.constant 0 : i32
    %dma_start3A_39 = arith.constant 0 : i32
    %dma_start3A_40 = tpu.memref_slice %arg7[%dma_start3A_36, %dma_start3A_38, %dma_start3A_39] : memref<2x80x128xf32, #tpu.memory_space<vmem>> -> memref<1x80x128xf32, #tpu.memory_space<vmem>>
    %dma_start3A_41 = tpu.memref_squeeze %dma_start3A_40 : memref<1x80x128xf32, #tpu.memory_space<vmem>> -> memref<80x128xf32, #tpu.memory_space<vmem>>
    %dma_start3A_42 = arith.constant 0 : i32
    %dma_start3A_43 = tpu.memref_slice %arg5[%dma_start3A_35, %dma_start3A_42] : memref<250x80xi32, #tpu.memory_space<vmem>> -> memref<1x80xi32, #tpu.memory_space<vmem>>
    %dma_start3A_44 = tpu.memref_squeeze %dma_start3A_43 : memref<1x80xi32, #tpu.memory_space<vmem>> -> memref<80xi32, #tpu.memory_space<vmem>>
    %dma_start3A_45 = arith.constant 0 : i32
    %dma_start3A_46 = arith.constant 0 : i32
    %dma_start3A_47 = tpu.memref_slice %arg3[%dma_start3A_45, %dma_start3A_46] : memref<10000x128xf32, #tpu.memory_space<hbm>> -> memref<10000x128xf32, #tpu.memory_space<hbm>>
    %dma_start3A_48 = tpu.memref_slice %arg10[%dma_start3A_37] : memref<2x!tpu.dma_semaphore, #tpu.memory_space<semaphore_mem>> -> memref<1x!tpu.dma_semaphore, #tpu.memory_space<semaphore_mem>>
    %dma_start3A_49 = tpu.memref_squeeze %dma_start3A_48 : memref<1x!tpu.dma_semaphore, #tpu.memory_space<semaphore_mem>> -> memref<!tpu.dma_semaphore, #tpu.memory_space<semaphore_mem>>
    tpu.enqueue_indirect_dma source(%dma_start3A_47 : memref<10000x128xf32, #tpu.memory_space<hbm>>) target(%dma_start3A_41 : memref<80x128xf32, #tpu.memory_space<vmem>>) offsets(%dma_start3A_44 : memref<80xi32, #tpu.memory_space<vmem>>) semaphore(%dma_start3A_49 : memref<!tpu.dma_semaphore, #tpu.memory_space<semaphore_mem>>)
    %scan3A_50 = arith.constant 0 : i32
    %scan3A_51 = arith.constant 250 : i32
    %scan3A_52 = arith.addi %scan3A_50, %scan3A_51 : i32
    %scan3A_53 = arith.constant 1 : i32
    scf.for %scan3A_85 = %scan3A_50 to %scan3A_52 step %scan3A_53  : i32 {
      %mul3A_86 = arith.constant 1 : i32
      %mul3A_87 = arith.muli %scan3A_85, %mul3A_86 : i32
      %add3A_88 = arith.constant 0 : i32
      %add3A_89 = arith.addi %add3A_88, %mul3A_87 : i32
      %rem3A_90 = arith.constant 2 : i32
      %rem3A_91 = arith.remsi %add3A_89, %rem3A_90 : i32
      %dma_wait3A_92 = arith.constant 0 : i32
      %dma_wait3A_93 = arith.constant 0 : i32
      %dma_wait3A_94 = tpu.memref_slice %arg7[%rem3A_91, %dma_wait3A_92, %dma_wait3A_93] : memref<2x80x128xf32, #tpu.memory_space<vmem>> -> memref<1x80x128xf32, #tpu.memory_space<vmem>>
      %dma_wait3A_95 = tpu.memref_squeeze %dma_wait3A_94 : memref<1x80x128xf32, #tpu.memory_space<vmem>> -> memref<80x128xf32, #tpu.memory_space<vmem>>
      %dma_wait3A_96 = arith.constant 0 : i32
      %dma_wait3A_97 = tpu.memref_slice %arg5[%add3A_89, %dma_wait3A_96] : memref<250x80xi32, #tpu.memory_space<vmem>> -> memref<1x80xi32, #tpu.memory_space<vmem>>
      %dma_wait3A_98 = tpu.memref_squeeze %dma_wait3A_97 : memref<1x80xi32, #tpu.memory_space<vmem>> -> memref<80xi32, #tpu.memory_space<vmem>>
      %dma_wait3A_99 = arith.constant 0 : i32
      %dma_wait3A_100 = arith.constant 0 : i32
      %dma_wait3A_101 = tpu.memref_slice %arg3[%dma_wait3A_99, %dma_wait3A_100] : memref<10000x128xf32, #tpu.memory_space<hbm>> -> memref<10000x128xf32, #tpu.memory_space<hbm>>
      %dma_wait3A_102 = tpu.memref_slice %arg10[%rem3A_91] : memref<2x!tpu.dma_semaphore, #tpu.memory_space<semaphore_mem>> -> memref<1x!tpu.dma_semaphore, #tpu.memory_space<semaphore_mem>>
      %dma_wait3A_103 = tpu.memref_squeeze %dma_wait3A_102 : memref<1x!tpu.dma_semaphore, #tpu.memory_space<semaphore_mem>> -> memref<!tpu.dma_semaphore, #tpu.memory_space<semaphore_mem>>
      tpu.wait_indirect_dma semaphore(%dma_wait3A_103 : memref<!tpu.dma_semaphore, #tpu.memory_space<semaphore_mem>>) src(%dma_wait3A_101 : memref<10000x128xf32, #tpu.memory_space<hbm>>) dst(%dma_wait3A_95 : memref<80x128xf32, #tpu.memory_space<vmem>>)
      %dma_start3A_104 = arith.constant 0 : i32
      %dma_start3A_105 = arith.constant 0 : i32
      %dma_start3A_106 = tpu.memref_slice %arg7[%rem3A_91, %dma_start3A_104, %dma_start3A_105] : memref<2x80x128xf32, #tpu.memory_space<vmem>> -> memref<1x80x128xf32, #tpu.memory_space<vmem>>
      %dma_start3A_107 = tpu.memref_squeeze %dma_start3A_106 : memref<1x80x128xf32, #tpu.memory_space<vmem>> -> memref<80x128xf32, #tpu.memory_space<vmem>>
      %dma_start3A_108 = arith.constant 0 : i32
      %dma_start3A_109 = tpu.memref_slice %arg6[%add3A_89, %dma_start3A_108] : memref<250x80xi32, #tpu.memory_space<vmem>> -> memref<1x80xi32, #tpu.memory_space<vmem>>
      %dma_start3A_110 = tpu.memref_squeeze %dma_start3A_109 : memref<1x80xi32, #tpu.memory_space<vmem>> -> memref<80xi32, #tpu.memory_space<vmem>>
      %dma_start3A_111 = arith.constant 0 : i32
      %dma_start3A_112 = arith.constant 0 : i32
      %dma_start3A_113 = tpu.memref_slice %arg9[%dma_start3A_111, %dma_start3A_112] : memref<5008x128xf32, #tpu.memory_space<vmem_shared>> -> memref<5008x128xf32, #tpu.memory_space<vmem_shared>>
      %dma_start3A_114 = tpu.memref_slice %arg11[%rem3A_91] : memref<2x!tpu.dma_semaphore, #tpu.memory_space<semaphore_mem>> -> memref<1x!tpu.dma_semaphore, #tpu.memory_space<semaphore_mem>>
      %dma_start3A_115 = tpu.memref_squeeze %dma_start3A_114 : memref<1x!tpu.dma_semaphore, #tpu.memory_space<semaphore_mem>> -> memref<!tpu.dma_semaphore, #tpu.memory_space<semaphore_mem>>
      tpu.enqueue_indirect_dma source(%dma_start3A_107 : memref<80x128xf32, #tpu.memory_space<vmem>>) target(%dma_start3A_113 : memref<5008x128xf32, #tpu.memory_space<vmem_shared>>) offsets(%dma_start3A_110 : memref<80xi32, #tpu.memory_space<vmem>>) semaphore(%dma_start3A_115 : memref<!tpu.dma_semaphore, #tpu.memory_space<semaphore_mem>>) {add = true}
      %sub3A = arith.constant 1 : i32
      %sub3A_116 = arith.subi %add3A_89, %sub3A : i32
      %ge3A = arith.constant 0 : i32
      %ge3A_117 = arith.cmpi sge, %sub3A_116, %ge3A : i32
      %convert_element_type3A_118 = arith.extui %ge3A_117 : i1 to i32
      %cond3A_119 = arith.constant 0 : i32
      %cond3A_120 = arith.cmpi ne, %convert_element_type3A_118, %cond3A_119 : i32
      scf.if %cond3A_120 {
        %rem3A_121 = arith.constant 2 : i32
        %rem3A_122 = arith.remsi %sub3A_116, %rem3A_121 : i32
        %dma_wait3A_123 = arith.constant 0 : i32
        %dma_wait3A_124 = arith.constant 0 : i32
        %dma_wait3A_125 = tpu.memref_slice %arg7[%rem3A_122, %dma_wait3A_123, %dma_wait3A_124] : memref<2x80x128xf32, #tpu.memory_space<vmem>> -> memref<1x80x128xf32, #tpu.memory_space<vmem>>
        %dma_wait3A_126 = tpu.memref_squeeze %dma_wait3A_125 : memref<1x80x128xf32, #tpu.memory_space<vmem>> -> memref<80x128xf32, #tpu.memory_space<vmem>>
        %dma_wait3A_127 = arith.constant 0 : i32
        %dma_wait3A_128 = tpu.memref_slice %arg6[%sub3A_116, %dma_wait3A_127] : memref<250x80xi32, #tpu.memory_space<vmem>> -> memref<1x80xi32, #tpu.memory_space<vmem>>
        %dma_wait3A_129 = tpu.memref_squeeze %dma_wait3A_128 : memref<1x80xi32, #tpu.memory_space<vmem>> -> memref<80xi32, #tpu.memory_space<vmem>>
        %dma_wait3A_130 = arith.constant 0 : i32
        %dma_wait3A_131 = arith.constant 0 : i32
        %dma_wait3A_132 = tpu.memref_slice %arg9[%dma_wait3A_130, %dma_wait3A_131] : memref<5008x128xf32, #tpu.memory_space<vmem_shared>> -> memref<5008x128xf32, #tpu.memory_space<vmem_shared>>
        %dma_wait3A_133 = tpu.memref_slice %arg11[%rem3A_122] : memref<2x!tpu.dma_semaphore, #tpu.memory_space<semaphore_mem>> -> memref<1x!tpu.dma_semaphore, #tpu.memory_space<semaphore_mem>>
        %dma_wait3A_134 = tpu.memref_squeeze %dma_wait3A_133 : memref<1x!tpu.dma_semaphore, #tpu.memory_space<semaphore_mem>> -> memref<!tpu.dma_semaphore, #tpu.memory_space<semaphore_mem>>
        tpu.wait_indirect_dma semaphore(%dma_wait3A_134 : memref<!tpu.dma_semaphore, #tpu.memory_space<semaphore_mem>>) src(%dma_wait3A_126 : memref<80x128xf32, #tpu.memory_space<vmem>>) dst(%dma_wait3A_132 : memref<5008x128xf32, #tpu.memory_space<vmem_shared>>)
        %add3A_135 = arith.constant 2 : i32
        %add3A_136 = arith.addi %sub3A_116, %add3A_135 : i32
        %lt3A = arith.constant 250 : i32
        %lt3A_137 = arith.cmpi slt, %add3A_136, %lt3A : i32
        %convert_element_type3A_138 = arith.extui %lt3A_137 : i1 to i32
        %cond3A_139 = arith.constant 0 : i32
        %cond3A_140 = arith.cmpi ne, %convert_element_type3A_138, %cond3A_139 : i32
        scf.if %cond3A_140 {
          %dma_start3A_141 = arith.constant 0 : i32
          %dma_start3A_142 = arith.constant 0 : i32
          %dma_start3A_143 = tpu.memref_slice %arg7[%rem3A_122, %dma_start3A_141, %dma_start3A_142] : memref<2x80x128xf32, #tpu.memory_space<vmem>> -> memref<1x80x128xf32, #tpu.memory_space<vmem>>
          %dma_start3A_144 = tpu.memref_squeeze %dma_start3A_143 : memref<1x80x128xf32, #tpu.memory_space<vmem>> -> memref<80x128xf32, #tpu.memory_space<vmem>>
          %dma_start3A_145 = arith.constant 0 : i32
          %dma_start3A_146 = tpu.memref_slice %arg5[%add3A_136, %dma_start3A_145] : memref<250x80xi32, #tpu.memory_space<vmem>> -> memref<1x80xi32, #tpu.memory_space<vmem>>
          %dma_start3A_147 = tpu.memref_squeeze %dma_start3A_146 : memref<1x80xi32, #tpu.memory_space<vmem>> -> memref<80xi32, #tpu.memory_space<vmem>>
          %dma_start3A_148 = arith.constant 0 : i32
          %dma_start3A_149 = arith.constant 0 : i32
          %dma_start3A_150 = tpu.memref_slice %arg3[%dma_start3A_148, %dma_start3A_149] : memref<10000x128xf32, #tpu.memory_space<hbm>> -> memref<10000x128xf32, #tpu.memory_space<hbm>>
          %dma_start3A_151 = tpu.memref_slice %arg10[%rem3A_122] : memref<2x!tpu.dma_semaphore, #tpu.memory_space<semaphore_mem>> -> memref<1x!tpu.dma_semaphore, #tpu.memory_space<semaphore_mem>>
          %dma_start3A_152 = tpu.memref_squeeze %dma_start3A_151 : memref<1x!tpu.dma_semaphore, #tpu.memory_space<semaphore_mem>> -> memref<!tpu.dma_semaphore, #tpu.memory_space<semaphore_mem>>
          tpu.enqueue_indirect_dma source(%dma_start3A_150 : memref<10000x128xf32, #tpu.memory_space<hbm>>) target(%dma_start3A_144 : memref<80x128xf32, #tpu.memory_space<vmem>>) offsets(%dma_start3A_147 : memref<80xi32, #tpu.memory_space<vmem>>) semaphore(%dma_start3A_152 : memref<!tpu.dma_semaphore, #tpu.memory_space<semaphore_mem>>)
        } else {
        }
      } else {
      }
    }
    %scan3A_54 = arith.constant 250 : i32
    %scan3A_55 = arith.constant 0 : i32
    %mul3A_56 = arith.constant 1 : i32
    %mul3A_57 = arith.muli %scan3A_55, %mul3A_56 : i32
    %add3A = arith.constant 249 : i32
    %add3A_58 = arith.addi %add3A, %mul3A_57 : i32
    %rem3A = arith.constant 2 : i32
    %rem3A_59 = arith.remsi %add3A_58, %rem3A : i32
    %dma_wait3A = arith.constant 0 : i32
    %dma_wait3A_60 = arith.constant 0 : i32
    %dma_wait3A_61 = tpu.memref_slice %arg7[%rem3A_59, %dma_wait3A, %dma_wait3A_60] : memref<2x80x128xf32, #tpu.memory_space<vmem>> -> memref<1x80x128xf32, #tpu.memory_space<vmem>>
    %dma_wait3A_62 = tpu.memref_squeeze %dma_wait3A_61 : memref<1x80x128xf32, #tpu.memory_space<vmem>> -> memref<80x128xf32, #tpu.memory_space<vmem>>
    %dma_wait3A_63 = arith.constant 0 : i32
    %dma_wait3A_64 = tpu.memref_slice %arg6[%add3A_58, %dma_wait3A_63] : memref<250x80xi32, #tpu.memory_space<vmem>> -> memref<1x80xi32, #tpu.memory_space<vmem>>
    %dma_wait3A_65 = tpu.memref_squeeze %dma_wait3A_64 : memref<1x80xi32, #tpu.memory_space<vmem>> -> memref<80xi32, #tpu.memory_space<vmem>>
    %dma_wait3A_66 = arith.constant 0 : i32
    %dma_wait3A_67 = arith.constant 0 : i32
    %dma_wait3A_68 = tpu.memref_slice %arg9[%dma_wait3A_66, %dma_wait3A_67] : memref<5008x128xf32, #tpu.memory_space<vmem_shared>> -> memref<5008x128xf32, #tpu.memory_space<vmem_shared>>
    %dma_wait3A_69 = tpu.memref_slice %arg11[%rem3A_59] : memref<2x!tpu.dma_semaphore, #tpu.memory_space<semaphore_mem>> -> memref<1x!tpu.dma_semaphore, #tpu.memory_space<semaphore_mem>>
    %dma_wait3A_70 = tpu.memref_squeeze %dma_wait3A_69 : memref<1x!tpu.dma_semaphore, #tpu.memory_space<semaphore_mem>> -> memref<!tpu.dma_semaphore, #tpu.memory_space<semaphore_mem>>
    tpu.wait_indirect_dma semaphore(%dma_wait3A_70 : memref<!tpu.dma_semaphore, #tpu.memory_space<semaphore_mem>>) src(%dma_wait3A_62 : memref<80x128xf32, #tpu.memory_space<vmem>>) dst(%dma_wait3A_68 : memref<5008x128xf32, #tpu.memory_space<vmem_shared>>)
    %scan3A_71 = arith.constant 1 : i32
    %barrier3A_72 = arith.constant 0 : index
    tpu.barrier barrier_id(%barrier3A_72)
    %mul3A_73 = arith.constant 5000 : i32
    %mul3A_74 = arith.muli %arg0, %mul3A_73 : i32
    %scan3A_75 = arith.constant 0 : i32
    %scan3A_76 = arith.constant 13 : i32
    %scan3A_77 = arith.addi %scan3A_75, %scan3A_76 : i32
    %scan3A_78 = arith.constant 1 : i32
    scf.for %scan3A_85 = %scan3A_75 to %scan3A_77 step %scan3A_78  : i32 {
      %mul3A_86 = arith.constant 1 : i32
      %mul3A_87 = arith.muli %scan3A_85, %mul3A_86 : i32
      %add3A_88 = arith.constant 0 : i32
      %add3A_89 = arith.addi %add3A_88, %mul3A_87 : i32
      %mul3A_90 = arith.constant 24 : i32
      %mul3A_91 = arith.muli %add3A_89, %mul3A_90 : i32
      %add3A_92 = arith.addi %mul3A_5, %mul3A_91 : i32
      "tpu.region"() ({
        %run_scoped3A_94 = tpu.sem_alloc : memref<!tpu.dma_semaphore, #tpu.memory_space<semaphore_mem>>
        %dma_start3A_95 = arith.constant 0 : i32
        %dma_start3A_96 = tpu.memref_slice %arg9[%add3A_92, %dma_start3A_95] : memref<5008x128xf32, #tpu.memory_space<vmem_shared>> -> memref<24x128xf32, #tpu.memory_space<vmem_shared>>
        %dma_start3A_97 = arith.constant 0 : i32
        %dma_start3A_98 = tpu.memref_slice %arg9[%add3A_92, %dma_start3A_97] : memref<5008x128xf32, #tpu.memory_space<vmem_shared>> -> memref<24x128xf32, #tpu.memory_space<vmem_shared>>
        tpu.enqueue_dma source(%dma_start3A_98 : memref<24x128xf32, #tpu.memory_space<vmem_shared>>) target(%arg8 : memref<24x128xf32, #tpu.memory_space<vmem>>) target_semaphore(%run_scoped3A_94 : memref<!tpu.dma_semaphore, #tpu.memory_space<semaphore_mem>>)
        %dma_wait3A_99 = arith.constant 0 : i32
        %dma_wait3A_100 = tpu.memref_slice %arg9[%add3A_92, %dma_wait3A_99] : memref<5008x128xf32, #tpu.memory_space<vmem_shared>> -> memref<24x128xf32, #tpu.memory_space<vmem_shared>>
        %dma_wait3A_101 = arith.constant 0 : i32
        %dma_wait3A_102 = tpu.memref_slice %arg9[%add3A_92, %dma_wait3A_101] : memref<5008x128xf32, #tpu.memory_space<vmem_shared>> -> memref<24x128xf32, #tpu.memory_space<vmem_shared>>
        tpu.wait_dma2 semaphore(%run_scoped3A_94 : memref<!tpu.dma_semaphore, #tpu.memory_space<semaphore_mem>>) src(%dma_wait3A_102 : memref<24x128xf32, #tpu.memory_space<vmem_shared>>) dst(%arg8 : memref<24x128xf32, #tpu.memory_space<vmem>>)
        tpu.yield
      }) : () -> ()
      %add3A_93 = arith.addi %mul3A_74, %add3A_92 : i32
      "tpu.region"() ({
        %run_scoped3A_94 = tpu.sem_alloc : memref<!tpu.dma_semaphore, #tpu.memory_space<semaphore_mem>>
        %dma_start3A_95 = arith.constant 0 : i32
        %dma_start3A_96 = tpu.memref_slice %arg4[%add3A_93, %dma_start3A_95] : memref<10000x128xf32, #tpu.memory_space<hbm>> -> memref<24x128xf32, #tpu.memory_space<hbm>>
        %dma_start3A_97 = arith.constant 0 : i32
        %dma_start3A_98 = tpu.memref_slice %arg4[%add3A_93, %dma_start3A_97] : memref<10000x128xf32, #tpu.memory_space<hbm>> -> memref<24x128xf32, #tpu.memory_space<hbm>>
        tpu.enqueue_dma source(%arg8 : memref<24x128xf32, #tpu.memory_space<vmem>>) target(%dma_start3A_98 : memref<24x128xf32, #tpu.memory_space<hbm>>) target_semaphore(%run_scoped3A_94 : memref<!tpu.dma_semaphore, #tpu.memory_space<semaphore_mem>>)
        %dma_wait3A_99 = arith.constant 0 : i32
        %dma_wait3A_100 = tpu.memref_slice %arg4[%add3A_93, %dma_wait3A_99] : memref<10000x128xf32, #tpu.memory_space<hbm>> -> memref<24x128xf32, #tpu.memory_space<hbm>>
        %dma_wait3A_101 = arith.constant 0 : i32
        %dma_wait3A_102 = tpu.memref_slice %arg4[%add3A_93, %dma_wait3A_101] : memref<10000x128xf32, #tpu.memory_space<hbm>> -> memref<24x128xf32, #tpu.memory_space<hbm>>
        tpu.wait_dma2 semaphore(%run_scoped3A_94 : memref<!tpu.dma_semaphore, #tpu.memory_space<semaphore_mem>>) src(%arg8 : memref<24x128xf32, #tpu.memory_space<vmem>>) dst(%dma_wait3A_102 : memref<24x128xf32, #tpu.memory_space<hbm>>)
        tpu.yield
      }) : () -> ()
    }
    %scan3A_79 = arith.constant 13 : i32
    %eq3A_80 = arith.constant 15 : i32
    %eq3A_81 = arith.cmpi eq, %arg1, %eq3A_80 : i32
    %convert_element_type3A_82 = arith.extui %eq3A_81 : i1 to i32
    %cond3A_83 = arith.constant 0 : i32
    %cond3A_84 = arith.cmpi ne, %convert_element_type3A_82, %cond3A_83 : i32
    scf.if %cond3A_84 {
      "tpu.region"() ({
        %run_scoped3A_87 = tpu.sem_alloc : memref<!tpu.dma_semaphore, #tpu.memory_space<semaphore_mem>>
        %dma_start3A_88 = arith.constant 0 : i32
        %dma_start3A_89 = arith.constant 0 : i32
        %dma_start3A_90 = tpu.memref_slice %arg8[%dma_start3A_88, %dma_start3A_89] : memref<24x128xf32, #tpu.memory_space<vmem>> -> memref<8x128xf32, #tpu.memory_space<vmem>>
        %dma_start3A_91 = arith.constant 4992 : i32
        %dma_start3A_92 = arith.constant 0 : i32
        %dma_start3A_93 = tpu.memref_slice %arg9[%dma_start3A_91, %dma_start3A_92] : memref<5008x128xf32, #tpu.memory_space<vmem_shared>> -> memref<8x128xf32, #tpu.memory_space<vmem_shared>>
        %dma_start3A_94 = arith.constant 0 : i32
        %dma_start3A_95 = arith.constant 0 : i32
        %dma_start3A_96 = tpu.memref_slice %arg8[%dma_start3A_94, %dma_start3A_95] : memref<24x128xf32, #tpu.memory_space<vmem>> -> memref<8x128xf32, #tpu.memory_space<vmem>>
        %dma_start3A_97 = arith.constant 4992 : i32
        %dma_start3A_98 = arith.constant 0 : i32
        %dma_start3A_99 = tpu.memref_slice %arg9[%dma_start3A_97, %dma_start3A_98] : memref<5008x128xf32, #tpu.memory_space<vmem_shared>> -> memref<8x128xf32, #tpu.memory_space<vmem_shared>>
        tpu.enqueue_dma source(%dma_start3A_99 : memref<8x128xf32, #tpu.memory_space<vmem_shared>>) target(%dma_start3A_96 : memref<8x128xf32, #tpu.memory_space<vmem>>) target_semaphore(%run_scoped3A_87 : memref<!tpu.dma_semaphore, #tpu.memory_space<semaphore_mem>>)
        %dma_wait3A_100 = arith.constant 0 : i32
        %dma_wait3A_101 = arith.constant 0 : i32
        %dma_wait3A_102 = tpu.memref_slice %arg8[%dma_wait3A_100, %dma_wait3A_101] : memref<24x128xf32, #tpu.memory_space<vmem>> -> memref<8x128xf32, #tpu.memory_space<vmem>>
        %dma_wait3A_103 = arith.constant 4992 : i32
        %dma_wait3A_104 = arith.constant 0 : i32
        %dma_wait3A_105 = tpu.memref_slice %arg9[%dma_wait3A_103, %dma_wait3A_104] : memref<5008x128xf32, #tpu.memory_space<vmem_shared>> -> memref<8x128xf32, #tpu.memory_space<vmem_shared>>
        %dma_wait3A_106 = arith.constant 0 : i32
        %dma_wait3A_107 = arith.constant 0 : i32
        %dma_wait3A_108 = tpu.memref_slice %arg8[%dma_wait3A_106, %dma_wait3A_107] : memref<24x128xf32, #tpu.memory_space<vmem>> -> memref<8x128xf32, #tpu.memory_space<vmem>>
        %dma_wait3A_109 = arith.constant 4992 : i32
        %dma_wait3A_110 = arith.constant 0 : i32
        %dma_wait3A_111 = tpu.memref_slice %arg9[%dma_wait3A_109, %dma_wait3A_110] : memref<5008x128xf32, #tpu.memory_space<vmem_shared>> -> memref<8x128xf32, #tpu.memory_space<vmem_shared>>
        tpu.wait_dma2 semaphore(%run_scoped3A_87 : memref<!tpu.dma_semaphore, #tpu.memory_space<semaphore_mem>>) src(%dma_wait3A_111 : memref<8x128xf32, #tpu.memory_space<vmem_shared>>) dst(%dma_wait3A_108 : memref<8x128xf32, #tpu.memory_space<vmem>>)
        tpu.yield
      }) : () -> ()
      %add3A_85 = arith.constant 4992 : i32
      %add3A_86 = arith.addi %mul3A_74, %add3A_85 : i32
      "tpu.region"() ({
        %run_scoped3A_87 = tpu.sem_alloc : memref<!tpu.dma_semaphore, #tpu.memory_space<semaphore_mem>>
        %dma_start3A_88 = arith.constant 0 : i32
        %dma_start3A_89 = arith.constant 0 : i32
        %dma_start3A_90 = tpu.memref_slice %arg8[%dma_start3A_88, %dma_start3A_89] : memref<24x128xf32, #tpu.memory_space<vmem>> -> memref<8x128xf32, #tpu.memory_space<vmem>>
        %dma_start3A_91 = arith.constant 0 : i32
        %dma_start3A_92 = tpu.memref_slice %arg4[%add3A_86, %dma_start3A_91] : memref<10000x128xf32, #tpu.memory_space<hbm>> -> memref<8x128xf32, #tpu.memory_space<hbm>>
        %dma_start3A_93 = arith.constant 0 : i32
        %dma_start3A_94 = tpu.memref_slice %arg4[%add3A_86, %dma_start3A_93] : memref<10000x128xf32, #tpu.memory_space<hbm>> -> memref<8x128xf32, #tpu.memory_space<hbm>>
        %dma_start3A_95 = arith.constant 0 : i32
        %dma_start3A_96 = arith.constant 0 : i32
        %dma_start3A_97 = tpu.memref_slice %arg8[%dma_start3A_95, %dma_start3A_96] : memref<24x128xf32, #tpu.memory_space<vmem>> -> memref<8x128xf32, #tpu.memory_space<vmem>>
        tpu.enqueue_dma source(%dma_start3A_97 : memref<8x128xf32, #tpu.memory_space<vmem>>) target(%dma_start3A_94 : memref<8x128xf32, #tpu.memory_space<hbm>>) target_semaphore(%run_scoped3A_87 : memref<!tpu.dma_semaphore, #tpu.memory_space<semaphore_mem>>)
        %dma_wait3A_98 = arith.constant 0 : i32
        %dma_wait3A_99 = arith.constant 0 : i32
        %dma_wait3A_100 = tpu.memref_slice %arg8[%dma_wait3A_98, %dma_wait3A_99] : memref<24x128xf32, #tpu.memory_space<vmem>> -> memref<8x128xf32, #tpu.memory_space<vmem>>
        %dma_wait3A_101 = arith.constant 0 : i32
        %dma_wait3A_102 = tpu.memref_slice %arg4[%add3A_86, %dma_wait3A_101] : memref<10000x128xf32, #tpu.memory_space<hbm>> -> memref<8x128xf32, #tpu.memory_space<hbm>>
        %dma_wait3A_103 = arith.constant 0 : i32
        %dma_wait3A_104 = tpu.memref_slice %arg4[%add3A_86, %dma_wait3A_103] : memref<10000x128xf32, #tpu.memory_space<hbm>> -> memref<8x128xf32, #tpu.memory_space<hbm>>
        %dma_wait3A_105 = arith.constant 0 : i32
        %dma_wait3A_106 = arith.constant 0 : i32
        %dma_wait3A_107 = tpu.memref_slice %arg8[%dma_wait3A_105, %dma_wait3A_106] : memref<24x128xf32, #tpu.memory_space<vmem>> -> memref<8x128xf32, #tpu.memory_space<vmem>>
        tpu.wait_dma2 semaphore(%run_scoped3A_87 : memref<!tpu.dma_semaphore, #tpu.memory_space<semaphore_mem>>) src(%dma_wait3A_107 : memref<8x128xf32, #tpu.memory_space<vmem>>) dst(%dma_wait3A_104 : memref<8x128xf32, #tpu.memory_space<hbm>>)
        tpu.yield
      }) : () -> ()
    } else {
    }
    return
  }
}

module attributes {stable_mosaic.version = 14 : i64} {
  func.func @_post_body(%arg0: i32, %arg1: memref<1000x128xf32, #tpu.memory_space<vmem>>, %arg2: memref<1000x128xf32, #tpu.memory_space<vmem>>, %arg3: memref<1000x128xf32, #tpu.memory_space<vmem>>) attributes {dimension_semantics = [#tpu.dimension_semantics<arbitrary>], iteration_bounds = array<i64: 10>, scalar_prefetch = 0 : i64, scratch_operands = 0 : i64, tpu.core_type = #tpu.core_type<tc>, window_params = [{transform_indices = @transform_0, window_bounds = array<i64: 1000, 128>}, {transform_indices = @transform_1, window_bounds = array<i64: 1000, 128>}, {transform_indices = @transform_2, window_bounds = array<i64: 1000, 128>}]} {
    %get3A = arith.constant 0 : index
    %get3A_0 = arith.constant 0 : index
    %get3A_1 = vector.load %arg1[%get3A, %get3A_0] : memref<1000x128xf32, #tpu.memory_space<vmem>>, vector<1000x128xf32>
    %get3A_2 = arith.constant 0 : index
    %get3A_3 = arith.constant 0 : index
    %get3A_4 = vector.load %arg2[%get3A_2, %get3A_3] : memref<1000x128xf32, #tpu.memory_space<vmem>>, vector<1000x1xf32>
    %max3A = arith.constant 1.000000e+00 : f32
    %max3A_5 = vector.broadcast %max3A : f32 to vector<1000x1xf32>
    %max3A_6 = arith.maximumf %get3A_4, %max3A_5 : vector<1000x1xf32>
    %div3A = arith.constant 1.000000e+00 : f32
    %div3A_7 = vector.broadcast %div3A : f32 to vector<1000x1xf32>
    %div3A_8 = arith.divf %div3A_7, %max3A_6 : vector<1000x1xf32>
    %mul3A = vector.broadcast %div3A_8 : vector<1000x1xf32> to vector<1000x128xf32>
    %mul3A_9 = arith.mulf %get3A_1, %mul3A : vector<1000x128xf32>
    %mul3A_10 = arith.mulf %mul3A_9, %mul3A_9 : vector<1000x128xf32>
    %reduce_sum3A = arith.constant dense<0.000000e+00> : vector<1000xf32>
    %reduce_sum3A_11 = vector.multi_reduction <add>, %mul3A_10, %reduce_sum3A [1] : vector<1000x128xf32> to vector<1000xf32>
    %broadcast_in_dim3A = vector.shape_cast %reduce_sum3A_11 : vector<1000xf32> to vector<1000x1xf32>
    %sqrt3A = math.sqrt %broadcast_in_dim3A : vector<1000x1xf32>
    %max3A_12 = arith.constant 1.000000e-15 : f32
    %max3A_13 = vector.broadcast %max3A_12 : f32 to vector<1000x1xf32>
    %max3A_14 = arith.maximumf %sqrt3A, %max3A_13 : vector<1000x1xf32>
    %tanh3A = math.tanh %max3A_14 : vector<1000x1xf32>
    %mul3A_15 = vector.broadcast %tanh3A : vector<1000x1xf32> to vector<1000x128xf32>
    %mul3A_16 = arith.mulf %mul3A_15, %mul3A_9 : vector<1000x128xf32>
    %div3A_17 = vector.broadcast %max3A_14 : vector<1000x1xf32> to vector<1000x128xf32>
    %div3A_18 = arith.divf %mul3A_16, %div3A_17 : vector<1000x128xf32>
    %mul3A_19 = arith.mulf %div3A_18, %div3A_18 : vector<1000x128xf32>
    %reduce_sum3A_20 = arith.constant dense<0.000000e+00> : vector<1000xf32>
    %reduce_sum3A_21 = vector.multi_reduction <add>, %mul3A_19, %reduce_sum3A_20 [1] : vector<1000x128xf32> to vector<1000xf32>
    %broadcast_in_dim3A_22 = vector.shape_cast %reduce_sum3A_21 : vector<1000xf32> to vector<1000x1xf32>
    %sqrt3A_23 = math.sqrt %broadcast_in_dim3A_22 : vector<1000x1xf32>
    %max3A_24 = arith.constant 1.000000e-15 : f32
    %max3A_25 = vector.broadcast %max3A_24 : f32 to vector<1000x1xf32>
    %max3A_26 = arith.maximumf %sqrt3A_23, %max3A_25 : vector<1000x1xf32>
    %gt3A = arith.constant 0.995999991 : f32
    %gt3A_27 = vector.broadcast %gt3A : f32 to vector<1000x1xf32>
    %gt3A_28 = arith.cmpf ogt, %max3A_26, %gt3A_27 : vector<1000x1xf32>
    %div3A_29 = vector.broadcast %max3A_26 : vector<1000x1xf32> to vector<1000x128xf32>
    %div3A_30 = arith.divf %div3A_18, %div3A_29 : vector<1000x128xf32>
    %mul3A_31 = arith.constant 0.995999991 : f32
    %mul3A_32 = vector.broadcast %mul3A_31 : f32 to vector<1000x128xf32>
    %mul3A_33 = arith.mulf %div3A_30, %mul3A_32 : vector<1000x128xf32>
    %broadcast_in_dim3A_34 = vector.shape_cast %gt3A_28 : vector<1000x1xi1> to vector<1000x1xi1>
    %broadcast_in_dim3A_35 = vector.broadcast %broadcast_in_dim3A_34 : vector<1000x1xi1> to vector<1000x128xi1>
    %select_n3A = arith.select %broadcast_in_dim3A_35, %mul3A_33, %div3A_18 : vector<1000x128xi1>, vector<1000x128xf32>
    %mul3A_36 = arith.mulf %select_n3A, %select_n3A : vector<1000x128xf32>
    %reduce_sum3A_37 = arith.constant dense<0.000000e+00> : vector<1000xf32>
    %reduce_sum3A_38 = vector.multi_reduction <add>, %mul3A_36, %reduce_sum3A_37 [1] : vector<1000x128xf32> to vector<1000xf32>
    %broadcast_in_dim3A_39 = vector.shape_cast %reduce_sum3A_38 : vector<1000xf32> to vector<1000x1xf32>
    %sqrt3A_40 = math.sqrt %broadcast_in_dim3A_39 : vector<1000x1xf32>
    %max3A_41 = arith.constant 1.000000e-15 : f32
    %max3A_42 = vector.broadcast %max3A_41 : f32 to vector<1000x1xf32>
    %max3A_43 = arith.maximumf %sqrt3A_40, %max3A_42 : vector<1000x1xf32>
    %jit3A = arith.constant -0.99999988 : f32
    %jit3A_44 = arith.constant 0.99999988 : f32
    %max3A_45 = vector.broadcast %jit3A : f32 to vector<1000x1xf32>
    %max3A_46 = arith.maximumf %max3A_45, %max3A_43 : vector<1000x1xf32>
    %min3A = vector.broadcast %jit3A_44 : f32 to vector<1000x1xf32>
    %min3A_47 = arith.minimumf %min3A, %max3A_46 : vector<1000x1xf32>
    %add3A = arith.constant 1.000000e+00 : f32
    %add3A_48 = vector.broadcast %add3A : f32 to vector<1000x1xf32>
    %add3A_49 = arith.addf %add3A_48, %min3A_47 : vector<1000x1xf32>
    %sub3A = arith.constant 1.000000e+00 : f32
    %sub3A_50 = vector.broadcast %sub3A : f32 to vector<1000x1xf32>
    %sub3A_51 = arith.subf %sub3A_50, %min3A_47 : vector<1000x1xf32>
    %div3A_52 = arith.divf %add3A_49, %sub3A_51 : vector<1000x1xf32>
    %log3A = math.log %div3A_52 : vector<1000x1xf32>
    %mul3A_53 = arith.constant 5.000000e-01 : f32
    %mul3A_54 = vector.broadcast %mul3A_53 : f32 to vector<1000x1xf32>
    %mul3A_55 = arith.mulf %mul3A_54, %log3A : vector<1000x1xf32>
    %div3A_56 = arith.divf %mul3A_55, %max3A_43 : vector<1000x1xf32>
    %mul3A_57 = vector.broadcast %div3A_56 : vector<1000x1xf32> to vector<1000x128xf32>
    %mul3A_58 = arith.mulf %mul3A_57, %select_n3A : vector<1000x128xf32>
    %max3A_59 = arith.constant 0.000000e+00 : f32
    %max3A_60 = vector.broadcast %max3A_59 : f32 to vector<1000x128xf32>
    %max3A_61 = arith.maximumf %mul3A_58, %max3A_60 : vector<1000x128xf32>
    %mul3A_62 = arith.mulf %max3A_61, %max3A_61 : vector<1000x128xf32>
    %reduce_sum3A_63 = arith.constant dense<0.000000e+00> : vector<1000xf32>
    %reduce_sum3A_64 = vector.multi_reduction <add>, %mul3A_62, %reduce_sum3A_63 [1] : vector<1000x128xf32> to vector<1000xf32>
    %broadcast_in_dim3A_65 = vector.shape_cast %reduce_sum3A_64 : vector<1000xf32> to vector<1000x1xf32>
    %sqrt3A_66 = math.sqrt %broadcast_in_dim3A_65 : vector<1000x1xf32>
    %max3A_67 = arith.constant 1.000000e-15 : f32
    %max3A_68 = vector.broadcast %max3A_67 : f32 to vector<1000x1xf32>
    %max3A_69 = arith.maximumf %sqrt3A_66, %max3A_68 : vector<1000x1xf32>
    %tanh3A_70 = math.tanh %max3A_69 : vector<1000x1xf32>
    %mul3A_71 = vector.broadcast %tanh3A_70 : vector<1000x1xf32> to vector<1000x128xf32>
    %mul3A_72 = arith.mulf %mul3A_71, %max3A_61 : vector<1000x128xf32>
    %div3A_73 = vector.broadcast %max3A_69 : vector<1000x1xf32> to vector<1000x128xf32>
    %div3A_74 = arith.divf %mul3A_72, %div3A_73 : vector<1000x128xf32>
    %mul3A_75 = arith.mulf %div3A_74, %div3A_74 : vector<1000x128xf32>
    %reduce_sum3A_76 = arith.constant dense<0.000000e+00> : vector<1000xf32>
    %reduce_sum3A_77 = vector.multi_reduction <add>, %mul3A_75, %reduce_sum3A_76 [1] : vector<1000x128xf32> to vector<1000xf32>
    %broadcast_in_dim3A_78 = vector.shape_cast %reduce_sum3A_77 : vector<1000xf32> to vector<1000x1xf32>
    %sqrt3A_79 = math.sqrt %broadcast_in_dim3A_78 : vector<1000x1xf32>
    %max3A_80 = arith.constant 1.000000e-15 : f32
    %max3A_81 = vector.broadcast %max3A_80 : f32 to vector<1000x1xf32>
    %max3A_82 = arith.maximumf %sqrt3A_79, %max3A_81 : vector<1000x1xf32>
    %gt3A_83 = arith.constant 0.995999991 : f32
    %gt3A_84 = vector.broadcast %gt3A_83 : f32 to vector<1000x1xf32>
    %gt3A_85 = arith.cmpf ogt, %max3A_82, %gt3A_84 : vector<1000x1xf32>
    %div3A_86 = vector.broadcast %max3A_82 : vector<1000x1xf32> to vector<1000x128xf32>
    %div3A_87 = arith.divf %div3A_74, %div3A_86 : vector<1000x128xf32>
    %mul3A_88 = arith.constant 0.995999991 : f32
    %mul3A_89 = vector.broadcast %mul3A_88 : f32 to vector<1000x128xf32>
    %mul3A_90 = arith.mulf %div3A_87, %mul3A_89 : vector<1000x128xf32>
    %broadcast_in_dim3A_91 = vector.shape_cast %gt3A_85 : vector<1000x1xi1> to vector<1000x1xi1>
    %broadcast_in_dim3A_92 = vector.broadcast %broadcast_in_dim3A_91 : vector<1000x1xi1> to vector<1000x128xi1>
    %select_n3A_93 = arith.select %broadcast_in_dim3A_92, %mul3A_90, %div3A_74 : vector<1000x128xi1>, vector<1000x128xf32>
    %swap3A = arith.constant 0 : index
    %swap3A_94 = arith.constant 0 : index
    %swap3A_95 = vector.load %arg3[%swap3A, %swap3A_94] : memref<1000x128xf32, #tpu.memory_space<vmem>>, vector<1000x128xf32>
    tpu.vector_store %arg3[%swap3A, %swap3A_94], %select_n3A_93 {strides = array<i32>} : memref<1000x128xf32, #tpu.memory_space<vmem>>, vector<1000x128xf32>,
    return
  }
  func.func @transform_0(%arg0: i32) -> (i32, i32) {
    %c0_i32 = arith.constant 0 : i32
    %c0_i32_0 = arith.constant 0 : i32
    return %arg0, %c0_i32 : i32, i32
  }
  func.func @transform_1(%arg0: i32) -> (i32, i32) {
    %c0_i32 = arith.constant 0 : i32
    %c0_i32_0 = arith.constant 0 : i32
    return %arg0, %c0_i32 : i32, i32
  }
  func.func @transform_2(%arg0: i32) -> (i32, i32) {
    %c0_i32 = arith.constant 0 : i32
    %c0_i32_0 = arith.constant 0 : i32
    return %arg0, %c0_i32 : i32, i32
  }
}

module attributes {stable_mosaic.version = 14 : i64} {
  func.func @_pre_body(%arg0: i32, %arg1: memref<1000x128xf32, #tpu.memory_space<vmem>>, %arg2: memref<128x128xf32, #tpu.memory_space<vmem>>, %arg3: memref<1x128xf32, #tpu.memory_space<vmem>>, %arg4: memref<1000x128xf32, #tpu.memory_space<vmem>>) attributes {dimension_semantics = [#tpu.dimension_semantics<arbitrary>], iteration_bounds = array<i64: 10>, scalar_prefetch = 0 : i64, scratch_operands = 0 : i64, tpu.core_type = #tpu.core_type<tc>, window_params = [{transform_indices = @transform_0, window_bounds = array<i64: 1000, 128>}, {pipeline_mode = #tpu.pipeline_mode<synchronous>, transform_indices = @transform_1, window_bounds = array<i64: 128, 128>}, {pipeline_mode = #tpu.pipeline_mode<synchronous>, transform_indices = @transform_2, window_bounds = array<i64: 1, 128>}, {transform_indices = @transform_3, window_bounds = array<i64: 1000, 128>}]} {
    %get3A = arith.constant 0 : index
    %get3A_0 = arith.constant 0 : index
    %get3A_1 = vector.load %arg1[%get3A, %get3A_0] : memref<1000x128xf32, #tpu.memory_space<vmem>>, vector<1000x128xf32>
    %get3A_2 = arith.constant 0 : index
    %get3A_3 = arith.constant 0 : index
    %get3A_4 = vector.load %arg2[%get3A_2, %get3A_3] : memref<128x128xf32, #tpu.memory_space<vmem>>, vector<128x128xf32>
    %get3A_5 = arith.constant 0 : index
    %get3A_6 = arith.constant 0 : index
    %get3A_7 = vector.load %arg3[%get3A_5, %get3A_6] : memref<1x128xf32, #tpu.memory_space<vmem>>, vector<1x128xf32>
    %mul3A = arith.mulf %get3A_1, %get3A_1 : vector<1000x128xf32>
    %reduce_sum3A = arith.constant dense<0.000000e+00> : vector<1000xf32>
    %reduce_sum3A_8 = vector.multi_reduction <add>, %mul3A, %reduce_sum3A [1] : vector<1000x128xf32> to vector<1000xf32>
    %broadcast_in_dim3A = vector.shape_cast %reduce_sum3A_8 : vector<1000xf32> to vector<1000x1xf32>
    %sqrt3A = math.sqrt %broadcast_in_dim3A : vector<1000x1xf32>
    %max3A = arith.constant 1.000000e-15 : f32
    %max3A_9 = vector.broadcast %max3A : f32 to vector<1000x1xf32>
    %max3A_10 = arith.maximumf %sqrt3A, %max3A_9 : vector<1000x1xf32>
    %dot_general3A = arith.constant dense<0.000000e+00> : vector<1000x128xf32>
    %dot_general3A_11 = tpu.matmul %get3A_1, %get3A_4, %dot_general3A {dimension_numbers = #tpu.dot_dimension_numbers<[1], [1], [0], [0], [0, 0, 1, 0], [], []>, transpose_lhs_hint = false} : vector<1000x128xf32>, vector<128x128xf32>, vector<1000x128xf32> -> vector<1000x128xf32>
    %mul3A_12 = arith.mulf %dot_general3A_11, %dot_general3A_11 : vector<1000x128xf32>
    %reduce_sum3A_13 = arith.constant dense<0.000000e+00> : vector<1000xf32>
    %reduce_sum3A_14 = vector.multi_reduction <add>, %mul3A_12, %reduce_sum3A_13 [1] : vector<1000x128xf32> to vector<1000xf32>
    %broadcast_in_dim3A_15 = vector.shape_cast %reduce_sum3A_14 : vector<1000xf32> to vector<1000x1xf32>
    %sqrt3A_16 = math.sqrt %broadcast_in_dim3A_15 : vector<1000x1xf32>
    %max3A_17 = arith.constant 1.000000e-15 : f32
    %max3A_18 = vector.broadcast %max3A_17 : f32 to vector<1000x1xf32>
    %max3A_19 = arith.maximumf %sqrt3A_16, %max3A_18 : vector<1000x1xf32>
    %div3A = arith.divf %max3A_19, %max3A_10 : vector<1000x1xf32>
    %jit3A = arith.constant -0.99999988 : f32
    %jit3A_20 = arith.constant 0.99999988 : f32
    %max3A_21 = vector.broadcast %jit3A : f32 to vector<1000x1xf32>
    %max3A_22 = arith.maximumf %max3A_21, %max3A_10 : vector<1000x1xf32>
    %min3A = vector.broadcast %jit3A_20 : f32 to vector<1000x1xf32>
    %min3A_23 = arith.minimumf %min3A, %max3A_22 : vector<1000x1xf32>
    %add3A = arith.constant 1.000000e+00 : f32
    %add3A_24 = vector.broadcast %add3A : f32 to vector<1000x1xf32>
    %add3A_25 = arith.addf %add3A_24, %min3A_23 : vector<1000x1xf32>
    %sub3A = arith.constant 1.000000e+00 : f32
    %sub3A_26 = vector.broadcast %sub3A : f32 to vector<1000x1xf32>
    %sub3A_27 = arith.subf %sub3A_26, %min3A_23 : vector<1000x1xf32>
    %div3A_28 = arith.divf %add3A_25, %sub3A_27 : vector<1000x1xf32>
    %log3A = math.log %div3A_28 : vector<1000x1xf32>
    %mul3A_29 = arith.constant 5.000000e-01 : f32
    %mul3A_30 = vector.broadcast %mul3A_29 : f32 to vector<1000x1xf32>
    %mul3A_31 = arith.mulf %mul3A_30, %log3A : vector<1000x1xf32>
    %mul3A_32 = arith.mulf %div3A, %mul3A_31 : vector<1000x1xf32>
    %tanh3A = math.tanh %mul3A_32 : vector<1000x1xf32>
    %mul3A_33 = vector.broadcast %tanh3A : vector<1000x1xf32> to vector<1000x128xf32>
    %mul3A_34 = arith.mulf %mul3A_33, %dot_general3A_11 : vector<1000x128xf32>
    %div3A_35 = vector.broadcast %max3A_19 : vector<1000x1xf32> to vector<1000x128xf32>
    %div3A_36 = arith.divf %mul3A_34, %div3A_35 : vector<1000x128xf32>
    %eq3A = arith.constant 0.000000e+00 : f32
    %eq3A_37 = vector.broadcast %eq3A : f32 to vector<1000x128xf32>
    %eq3A_38 = arith.cmpf oeq, %dot_general3A_11, %eq3A_37 : vector<1000x128xf32>
    %reduce_and3A = arith.constant 1.000000e+00 : f32
    %reduce_and3A_39 = arith.constant 0.000000e+00 : f32
    %reduce_and3A_40 = vector.broadcast %reduce_and3A : f32 to vector<1000x128xf32>
    %reduce_and3A_41 = vector.broadcast %reduce_and3A_39 : f32 to vector<1000x128xf32>
    %reduce_and3A_42 = arith.select %eq3A_38, %reduce_and3A_40, %reduce_and3A_41 : vector<1000x128xi1>, vector<1000x128xf32>
    %reduce_and3A_43 = arith.constant dense<0x7F800000> : vector<1000xf32>
    %reduce_and3A_44 = vector.multi_reduction <minimumf>, %reduce_and3A_42, %reduce_and3A_43 [1] : vector<1000x128xf32> to vector<1000xf32>
    %reduce_and3A_45 = arith.constant 0.000000e+00 : f32
    %reduce_and3A_46 = vector.broadcast %reduce_and3A_45 : f32 to vector<1000xf32>
    %reduce_and3A_47 = arith.cmpf ogt, %reduce_and3A_44, %reduce_and3A_46 : vector<1000xf32>
    %broadcast_in_dim3A_48 = vector.shape_cast %reduce_and3A_47 : vector<1000xi1> to vector<1000x1xi1>
    %jit3A_49 = arith.constant 0.000000e+00 : f32
    %broadcast_in_dim3A_50 = vector.shape_cast %broadcast_in_dim3A_48 : vector<1000x1xi1> to vector<1000x1xi1>
    %broadcast_in_dim3A_51 = vector.broadcast %broadcast_in_dim3A_50 : vector<1000x1xi1> to vector<1000x128xi1>
    %broadcast_in_dim3A_52 = vector.broadcast %jit3A_49 : f32 to vector<1000x128xf32>
    %select_n3A = arith.select %broadcast_in_dim3A_51, %broadcast_in_dim3A_52, %div3A_36 : vector<1000x128xi1>, vector<1000x128xf32>
    %mul3A_53 = arith.mulf %select_n3A, %select_n3A : vector<1000x128xf32>
    %reduce_sum3A_54 = arith.constant dense<0.000000e+00> : vector<1000xf32>
    %reduce_sum3A_55 = vector.multi_reduction <add>, %mul3A_53, %reduce_sum3A_54 [1] : vector<1000x128xf32> to vector<1000xf32>
    %broadcast_in_dim3A_56 = vector.shape_cast %reduce_sum3A_55 : vector<1000xf32> to vector<1000x1xf32>
    %sqrt3A_57 = math.sqrt %broadcast_in_dim3A_56 : vector<1000x1xf32>
    %max3A_58 = arith.constant 1.000000e-15 : f32
    %max3A_59 = vector.broadcast %max3A_58 : f32 to vector<1000x1xf32>
    %max3A_60 = arith.maximumf %sqrt3A_57, %max3A_59 : vector<1000x1xf32>
    %gt3A = arith.constant 0.995999991 : f32
    %gt3A_61 = vector.broadcast %gt3A : f32 to vector<1000x1xf32>
    %gt3A_62 = arith.cmpf ogt, %max3A_60, %gt3A_61 : vector<1000x1xf32>
    %div3A_63 = vector.broadcast %max3A_60 : vector<1000x1xf32> to vector<1000x128xf32>
    %div3A_64 = arith.divf %select_n3A, %div3A_63 : vector<1000x128xf32>
    %mul3A_65 = arith.constant 0.995999991 : f32
    %mul3A_66 = vector.broadcast %mul3A_65 : f32 to vector<1000x128xf32>
    %mul3A_67 = arith.mulf %div3A_64, %mul3A_66 : vector<1000x128xf32>
    %broadcast_in_dim3A_68 = vector.shape_cast %gt3A_62 : vector<1000x1xi1> to vector<1000x1xi1>
    %broadcast_in_dim3A_69 = vector.broadcast %broadcast_in_dim3A_68 : vector<1000x1xi1> to vector<1000x128xi1>
    %select_n3A_70 = arith.select %broadcast_in_dim3A_69, %mul3A_67, %select_n3A : vector<1000x128xi1>, vector<1000x128xf32>
    %mul3A_71 = arith.mulf %get3A_7, %get3A_7 : vector<1x128xf32>
    %reduce_sum3A_72 = arith.constant dense<0.000000e+00> : vector<1xf32>
    %reduce_sum3A_73 = vector.multi_reduction <add>, %mul3A_71, %reduce_sum3A_72 [1] : vector<1x128xf32> to vector<1xf32>
    %broadcast_in_dim3A_74 = vector.shape_cast %reduce_sum3A_73 : vector<1xf32> to vector<1x1xf32>
    %sqrt3A_75 = math.sqrt %broadcast_in_dim3A_74 : vector<1x1xf32>
    %max3A_76 = arith.constant 1.000000e-15 : f32
    %max3A_77 = vector.broadcast %max3A_76 : f32 to vector<1x1xf32>
    %max3A_78 = arith.maximumf %sqrt3A_75, %max3A_77 : vector<1x1xf32>
    %tanh3A_79 = math.tanh %max3A_78 : vector<1x1xf32>
    %mul3A_80 = vector.broadcast %tanh3A_79 : vector<1x1xf32> to vector<1x128xf32>
    %mul3A_81 = arith.mulf %mul3A_80, %get3A_7 : vector<1x128xf32>
    %div3A_82 = vector.broadcast %max3A_78 : vector<1x1xf32> to vector<1x128xf32>
    %div3A_83 = arith.divf %mul3A_81, %div3A_82 : vector<1x128xf32>
    %mul3A_84 = arith.mulf %div3A_83, %div3A_83 : vector<1x128xf32>
    %reduce_sum3A_85 = arith.constant dense<0.000000e+00> : vector<1xf32>
    %reduce_sum3A_86 = vector.multi_reduction <add>, %mul3A_84, %reduce_sum3A_85 [1] : vector<1x128xf32> to vector<1xf32>
    %broadcast_in_dim3A_87 = vector.shape_cast %reduce_sum3A_86 : vector<1xf32> to vector<1x1xf32>
    %sqrt3A_88 = math.sqrt %broadcast_in_dim3A_87 : vector<1x1xf32>
    %max3A_89 = arith.constant 1.000000e-15 : f32
    %max3A_90 = vector.broadcast %max3A_89 : f32 to vector<1x1xf32>
    %max3A_91 = arith.maximumf %sqrt3A_88, %max3A_90 : vector<1x1xf32>
    %gt3A_92 = arith.constant 0.995999991 : f32
    %gt3A_93 = vector.broadcast %gt3A_92 : f32 to vector<1x1xf32>
    %gt3A_94 = arith.cmpf ogt, %max3A_91, %gt3A_93 : vector<1x1xf32>
    %div3A_95 = vector.broadcast %max3A_91 : vector<1x1xf32> to vector<1x128xf32>
    %div3A_96 = arith.divf %div3A_83, %div3A_95 : vector<1x128xf32>
    %mul3A_97 = arith.constant 0.995999991 : f32
    %mul3A_98 = vector.broadcast %mul3A_97 : f32 to vector<1x128xf32>
    %mul3A_99 = arith.mulf %div3A_96, %mul3A_98 : vector<1x128xf32>
    %broadcast_in_dim3A_100 = vector.shape_cast %gt3A_94 : vector<1x1xi1> to vector<1x1xi1>
    %broadcast_in_dim3A_101 = vector.broadcast %broadcast_in_dim3A_100 : vector<1x1xi1> to vector<1x128xi1>
    %select_n3A_102 = arith.select %broadcast_in_dim3A_101, %mul3A_99, %div3A_83 : vector<1x128xi1>, vector<1x128xf32>
    %mul3A_103 = arith.mulf %select_n3A_70, %select_n3A_70 : vector<1000x128xf32>
    %reduce_sum3A_104 = arith.constant dense<0.000000e+00> : vector<1000xf32>
    %reduce_sum3A_105 = vector.multi_reduction <add>, %mul3A_103, %reduce_sum3A_104 [1] : vector<1000x128xf32> to vector<1000xf32>
    %broadcast_in_dim3A_106 = vector.shape_cast %reduce_sum3A_105 : vector<1000xf32> to vector<1000x1xf32>
    %mul3A_107 = arith.mulf %select_n3A_102, %select_n3A_102 : vector<1x128xf32>
    %reduce_sum3A_108 = arith.constant dense<0.000000e+00> : vector<1xf32>
    %reduce_sum3A_109 = vector.multi_reduction <add>, %mul3A_107, %reduce_sum3A_108 [1] : vector<1x128xf32> to vector<1xf32>
    %broadcast_in_dim3A_110 = vector.shape_cast %reduce_sum3A_109 : vector<1xf32> to vector<1x1xf32>
    %mul3A_111 = vector.broadcast %select_n3A_102 : vector<1x128xf32> to vector<1000x128xf32>
    %mul3A_112 = arith.mulf %select_n3A_70, %mul3A_111 : vector<1000x128xf32>
    %reduce_sum3A_113 = arith.constant dense<0.000000e+00> : vector<1000xf32>
    %reduce_sum3A_114 = vector.multi_reduction <add>, %mul3A_112, %reduce_sum3A_113 [1] : vector<1000x128xf32> to vector<1000xf32>
    %broadcast_in_dim3A_115 = vector.shape_cast %reduce_sum3A_114 : vector<1000xf32> to vector<1000x1xf32>
    %mul3A_116 = arith.constant 2.000000e+00 : f32
    %mul3A_117 = vector.broadcast %mul3A_116 : f32 to vector<1000x1xf32>
    %mul3A_118 = arith.mulf %mul3A_117, %broadcast_in_dim3A_115 : vector<1000x1xf32>
    %add3A_119 = arith.constant 1.000000e+00 : f32
    %add3A_120 = vector.broadcast %add3A_119 : f32 to vector<1000x1xf32>
    %add3A_121 = arith.addf %add3A_120, %mul3A_118 : vector<1000x1xf32>
    %add3A_122 = vector.broadcast %broadcast_in_dim3A_110 : vector<1x1xf32> to vector<1000x1xf32>
    %add3A_123 = arith.addf %add3A_121, %add3A_122 : vector<1000x1xf32>
    %mul3A_124 = vector.broadcast %add3A_123 : vector<1000x1xf32> to vector<1000x128xf32>
    %mul3A_125 = arith.mulf %mul3A_124, %select_n3A_70 : vector<1000x128xf32>
    %sub3A_126 = arith.constant 1.000000e+00 : f32
    %sub3A_127 = vector.broadcast %sub3A_126 : f32 to vector<1000x1xf32>
    %sub3A_128 = arith.subf %sub3A_127, %broadcast_in_dim3A_106 : vector<1000x1xf32>
    %mul3A_129 = vector.broadcast %sub3A_128 : vector<1000x1xf32> to vector<1000x128xf32>
    %mul3A_130 = vector.broadcast %select_n3A_102 : vector<1x128xf32> to vector<1000x128xf32>
    %mul3A_131 = arith.mulf %mul3A_129, %mul3A_130 : vector<1000x128xf32>
    %add3A_132 = arith.addf %mul3A_125, %mul3A_131 : vector<1000x128xf32>
    %mul3A_133 = arith.constant 2.000000e+00 : f32
    %mul3A_134 = vector.broadcast %mul3A_133 : f32 to vector<1000x1xf32>
    %mul3A_135 = arith.mulf %mul3A_134, %broadcast_in_dim3A_115 : vector<1000x1xf32>
    %add3A_136 = arith.constant 1.000000e+00 : f32
    %add3A_137 = vector.broadcast %add3A_136 : f32 to vector<1000x1xf32>
    %add3A_138 = arith.addf %add3A_137, %mul3A_135 : vector<1000x1xf32>
    %mul3A_139 = vector.broadcast %broadcast_in_dim3A_110 : vector<1x1xf32> to vector<1000x1xf32>
    %mul3A_140 = arith.mulf %broadcast_in_dim3A_106, %mul3A_139 : vector<1000x1xf32>
    %add3A_141 = arith.addf %add3A_138, %mul3A_140 : vector<1000x1xf32>
    %max3A_142 = arith.constant 1.000000e-15 : f32
    %max3A_143 = vector.broadcast %max3A_142 : f32 to vector<1000x1xf32>
    %max3A_144 = arith.maximumf %add3A_141, %max3A_143 : vector<1000x1xf32>
    %div3A_145 = vector.broadcast %max3A_144 : vector<1000x1xf32> to vector<1000x128xf32>
    %div3A_146 = arith.divf %add3A_132, %div3A_145 : vector<1000x128xf32>
    %mul3A_147 = arith.mulf %div3A_146, %div3A_146 : vector<1000x128xf32>
    %reduce_sum3A_148 = arith.constant dense<0.000000e+00> : vector<1000xf32>
    %reduce_sum3A_149 = vector.multi_reduction <add>, %mul3A_147, %reduce_sum3A_148 [1] : vector<1000x128xf32> to vector<1000xf32>
    %broadcast_in_dim3A_150 = vector.shape_cast %reduce_sum3A_149 : vector<1000xf32> to vector<1000x1xf32>
    %sqrt3A_151 = math.sqrt %broadcast_in_dim3A_150 : vector<1000x1xf32>
    %max3A_152 = arith.constant 1.000000e-15 : f32
    %max3A_153 = vector.broadcast %max3A_152 : f32 to vector<1000x1xf32>
    %max3A_154 = arith.maximumf %sqrt3A_151, %max3A_153 : vector<1000x1xf32>
    %gt3A_155 = arith.constant 0.995999991 : f32
    %gt3A_156 = vector.broadcast %gt3A_155 : f32 to vector<1000x1xf32>
    %gt3A_157 = arith.cmpf ogt, %max3A_154, %gt3A_156 : vector<1000x1xf32>
    %div3A_158 = vector.broadcast %max3A_154 : vector<1000x1xf32> to vector<1000x128xf32>
    %div3A_159 = arith.divf %div3A_146, %div3A_158 : vector<1000x128xf32>
    %mul3A_160 = arith.constant 0.995999991 : f32
    %mul3A_161 = vector.broadcast %mul3A_160 : f32 to vector<1000x128xf32>
    %mul3A_162 = arith.mulf %div3A_159, %mul3A_161 : vector<1000x128xf32>
    %broadcast_in_dim3A_163 = vector.shape_cast %gt3A_157 : vector<1000x1xi1> to vector<1000x1xi1>
    %broadcast_in_dim3A_164 = vector.broadcast %broadcast_in_dim3A_163 : vector<1000x1xi1> to vector<1000x128xi1>
    %select_n3A_165 = arith.select %broadcast_in_dim3A_164, %mul3A_162, %div3A_146 : vector<1000x128xi1>, vector<1000x128xf32>
    %mul3A_166 = arith.mulf %select_n3A_165, %select_n3A_165 : vector<1000x128xf32>
    %reduce_sum3A_167 = arith.constant dense<0.000000e+00> : vector<1000xf32>
    %reduce_sum3A_168 = vector.multi_reduction <add>, %mul3A_166, %reduce_sum3A_167 [1] : vector<1000x128xf32> to vector<1000xf32>
    %broadcast_in_dim3A_169 = vector.shape_cast %reduce_sum3A_168 : vector<1000xf32> to vector<1000x1xf32>
    %sqrt3A_170 = math.sqrt %broadcast_in_dim3A_169 : vector<1000x1xf32>
    %max3A_171 = arith.constant 1.000000e-15 : f32
    %max3A_172 = vector.broadcast %max3A_171 : f32 to vector<1000x1xf32>
    %max3A_173 = arith.maximumf %sqrt3A_170, %max3A_172 : vector<1000x1xf32>
    %jit3A_174 = arith.constant -0.99999988 : f32
    %jit3A_175 = arith.constant 0.99999988 : f32
    %max3A_176 = vector.broadcast %jit3A_174 : f32 to vector<1000x1xf32>
    %max3A_177 = arith.maximumf %max3A_176, %max3A_173 : vector<1000x1xf32>
    %min3A_178 = vector.broadcast %jit3A_175 : f32 to vector<1000x1xf32>
    %min3A_179 = arith.minimumf %min3A_178, %max3A_177 : vector<1000x1xf32>
    %add3A_180 = arith.constant 1.000000e+00 : f32
    %add3A_181 = vector.broadcast %add3A_180 : f32 to vector<1000x1xf32>
    %add3A_182 = arith.addf %add3A_181, %min3A_179 : vector<1000x1xf32>
    %sub3A_183 = arith.constant 1.000000e+00 : f32
    %sub3A_184 = vector.broadcast %sub3A_183 : f32 to vector<1000x1xf32>
    %sub3A_185 = arith.subf %sub3A_184, %min3A_179 : vector<1000x1xf32>
    %div3A_186 = arith.divf %add3A_182, %sub3A_185 : vector<1000x1xf32>
    %log3A_187 = math.log %div3A_186 : vector<1000x1xf32>
    %mul3A_188 = arith.constant 5.000000e-01 : f32
    %mul3A_189 = vector.broadcast %mul3A_188 : f32 to vector<1000x1xf32>
    %mul3A_190 = arith.mulf %mul3A_189, %log3A_187 : vector<1000x1xf32>
    %div3A_191 = arith.divf %mul3A_190, %max3A_173 : vector<1000x1xf32>
    %mul3A_192 = vector.broadcast %div3A_191 : vector<1000x1xf32> to vector<1000x128xf32>
    %mul3A_193 = arith.mulf %mul3A_192, %select_n3A_165 : vector<1000x128xf32>
    %swap3A = arith.constant 0 : index
    %swap3A_194 = arith.constant 0 : index
    %swap3A_195 = vector.load %arg4[%swap3A, %swap3A_194] : memref<1000x128xf32, #tpu.memory_space<vmem>>, vector<1000x128xf32>
    tpu.vector_store %arg4[%swap3A, %swap3A_194], %mul3A_193 {strides = array<i32>} : memref<1000x128xf32, #tpu.memory_space<vmem>>, vector<1000x128xf32>,
    return
  }
  func.func @transform_0(%arg0: i32) -> (i32, i32) {
    %c0_i32 = arith.constant 0 : i32
    %c0_i32_0 = arith.constant 0 : i32
    return %arg0, %c0_i32 : i32, i32
  }
  func.func @transform_1(%arg0: i32) -> (i32, i32) {
    %c0_i32 = arith.constant 0 : i32
    %c0_i32_0 = arith.constant 0 : i32
    %c0_i32_1 = arith.constant 0 : i32
    return %c0_i32, %c0_i32_0 : i32, i32
  }
  func.func @transform_2(%arg0: i32) -> (i32, i32) {
    %c0_i32 = arith.constant 0 : i32
    %c0_i32_0 = arith.constant 0 : i32
    %c0_i32_1 = arith.constant 0 : i32
    return %c0_i32, %c0_i32_0 : i32, i32
  }
  func.func @transform_3(%arg0: i32) -> (i32, i32) {
    %c0_i32 = arith.constant 0 : i32
    %c0_i32_0 = arith.constant 0 : i32
    return %arg0, %c0_i32 : i32, i32
  }
}

</mosaic_0001>

<sc_bundles>
// kernel: kernel.6.cloned.1.call-start
scs
__scs_entry_jumppad:
0x0: {  	(pc) =	sbr.rel $0x88, $3  }
0x1: {  	(tag) =	ssettag $0x0;
	lr =	simm.s32 $0x1  }
0x2: {  	[smem:$0x3F9D] =	sst lr;
	_ =	strace $0xD0000000  }
0x3: {  	_ = 	snop  }
0x4: {  	_ = 	snop  }
0x5: {  	_ = 	snop  }
0x6: {  	_ = 	snop  }
0x7: {  	_ = 	snop  }
__scs_overlays_trampoline_lowered:
0x8: {  	[smem:$0x3FAC] =	sst s0  }
0x9: {  	[smem:$0x3FAD] =	sst s1  }
0xa: {  	[smem:$0x3FAE] =	sst s2  }
0xb: {  	[smem:$0x3FAF] =	sst s3  }
0xc: {  	[smem:$0x3FB0] =	sst s4  }
0xd: {  	[smem:$0x3FB1] =	sst s5  }
0xe: {  	[smem:$0x3FB2] =	sst s6  }
0xf: {  	[smem:$0x3FB3] =	sst s7  }
0x10: {  	[smem:$0x3FB4] =	sst s8  }
0x11: {  	[smem:$0x3FB5] =	sst s9;
	s0 =	simm.s32 @!p0 $0x0  }
0x12: {  	s1 =	sld [smem:$0x3F9B];
	s0 =	simm.s32 @p0 $0x1  }
0x13: {  	[smem:$0x3FB6] =	sst s0;
	s0 =	simm.s32 @!p1 $0x0  }
0x14: {  	s2 =	sld [smem:$0x3F9A];
	s0 =	simm.s32 @p1 $0x1  }
0x15: {  	[smem:$0x3FB7] =	sst s0;
	s0 =	simm.s32 @!p2 $0x0  }
0x16: {  	s3 =	sld [smem:$0x3FDB];
	s0 =	simm.s32 @p2 $0x1  }
0x17: {  	s4 =	simm.s32 $0x1BF5;
	[smem:$0x3FB9] =	sst s0  }
0x18: {  	s0 =	sld [smem:$0x3F9C];
	_ =	swait.ge [sflag:s4], $0x0  }
0x19: {  	s7 =	sld [smem:$0x3F9D]  }
0x1a: {  	s8 =	sadd.s32 $0xFFFFE003, lr  }
0x1b: {  	s9 =	sadd.s32 $0xFFFFFEF7, lr;
	s5 =	simm.s32 $0xFFFFFFFF;
	p2 =	slt.u32 s8, $0xFFFFF086  }
0x1c: {  	p1 =	slt.u32 s9, $0xF7A;
	s5 =	simm.s32 @!p2 $0x0  }
0x1d: {  	s5 =	simm.s32 @p1 $0x1;
	p0 =	seq.s32 s7, s2  }
0x1e: {  	s7 =	smul.u32 @!p0 $0xF7A, s2;
	p2 =	seq.s32 @!p0 s5, $0x0  }
0x1f: {  	s9 =	smul.u32 $0xF7A, s1;
	s8 =	simm.s32 @!p0 $0x1BF5;
	p2 =	por !p2, p0  }
0x20: {  	[sflag:s8] =	ssyncset.s32 @!p0 $0xFFFFF086;
	s6 =	sadd.s32 @!p0 s3, s7;
	s7 =	simm.s32 @!p0 $0x108  }
0x21: {  	s3 =	sadd.s32 s3, s9;
	s6 =	sadd.s32 @!p0 $0x88, s6;
	s7 =	simm.s32 @p2 $0x1082  }
0x22: {  	[simem:s7], [sflag:s8] =	dma.local @!p0 [hbm:s6], $0xF7A  }
0x23: {  	s9 =	sor.u32 $0xD0000000, s2;
	s6 =	simm.s32 $0x108;
	_ =	swait.ge @!p0 [sflag:s8], $0x0  }
0x24: {  	s3 =	sadd.s32 $0x88, s3;
	s6 =	simm.s32 @!p1 $0x1082;
	[sflag:s4] =	ssyncset.s32 $0xFFFFF086  }
0x25: {  	[simem:s6], [sflag:s4] =	dma.local [hbm:s3], $0xF7A  }
0x26: {  	[smem:$0x3F9D] =	sst s1;
	(tag) =	ssettag s2;
	_ =	strace s9  }
0x27: {  	s1 =	sld [smem:$0x3FAD]  }
0x28: {  	s2 =	sld [smem:$0x3FAE]  }
0x29: {  	s4 =	sld [smem:$0x3FB0]  }
0x2a: {  	p0 =	seq.s32 s5, $0x0;
	s5 =	sld [smem:$0x3FB1]  }
0x2b: {  	s6 =	sld [smem:$0x3FB2]  }
0x2c: {  	s7 =	sld [smem:$0x3FB3]  }
0x2d: {  	s3 =	simm.s32 $0x108;
	s8 =	sld [smem:$0x3FB4]  }
0x2e: {  	s3 =	simm.s32 @!p0 $0x1082;
	s9 =	sld [smem:$0x3FB5]  }
0x2f: {  	lr =	sadd.s32 s0, s3;
	s0 =	sld [smem:$0x3FAC]  }
0x30: {  	s3 =	sld [smem:$0x3FAF]  }
0x31: {  	[smem:$0x3FB8] =	sst s10  }
0x32: {  	s10 =	sld [smem:$0x3FB6];
	_ =	sdelay $0x3  }
0x33: {  	p0 =	seq.s32 s10, $0x1;
	s10 =	sld [smem:$0x3FB8];
	_ =	sdelay $0x3  }
0x34: {  	[smem:$0x3FB8] =	sst s10  }
0x35: {  	s10 =	sld [smem:$0x3FB7];
	_ =	sdelay $0x3  }
0x36: {  	p1 =	seq.s32 s10, $0x1;
	s10 =	sld [smem:$0x3FB8];
	_ =	sdelay $0x3  }
0x37: {  	[smem:$0x3FB8] =	sst s10  }
0x38: {  	s10 =	sld [smem:$0x3FB9]  }
0x39: {  	_ = 	snop;
	(pc) =	sbr.ind lr, $3  }
0x3a: {  	_ = 	snop  }
0x3b: {  	_ = 	snop  }
0x3c: {  	p2 =	seq.s32 s10, $0x1;
	s10 =	sld [smem:$0x3FB8]  }
0x3d: {  	_ =	shalt  }
0x3e: {  	_ =	shalt  }
0x3f: {  	_ =	shalt  }
0x40: {  	_ =	shalt  }
0x41: {  	_ =	shalt  }
0x42: {  	_ =	shalt  }
0x43: {  	_ =	shalt  }
0x44: {  	_ =	shalt  }
0x45: {  	_ =	shalt  }
0x46: {  	_ =	shalt  }
0x47: {  	_ =	shalt  }
0x48: {  	_ =	shalt  }
0x49: {  	_ =	shalt  }
0x4a: {  	_ =	shalt  }
0x4b: {  	_ =	shalt  }
0x4c: {  	_ =	shalt  }
0x4d: {  	_ =	shalt  }
0x4e: {  	_ =	shalt  }
0x4f: {  	_ =	shalt  }
0x50: {  	_ =	shalt  }
0x51: {  	_ =	shalt  }
0x52: {  	_ =	shalt  }
0x53: {  	_ =	shalt  }
0x54: {  	_ =	shalt  }
0x55: {  	_ =	shalt  }
0x56: {  	_ =	shalt  }
0x57: {  	_ =	shalt  }
0x58: {  	_ =	shalt  }
0x59: {  	_ =	shalt  }
0x5a: {  	_ =	shalt  }
0x5b: {  	_ =	shalt  }
0x5c: {  	_ =	shalt  }
0x5d: {  	_ =	shalt  }
0x5e: {  	_ =	shalt  }
0x5f: {  	_ =	shalt  }
0x60: {  	_ =	shalt  }
0x61: {  	_ =	shalt  }
0x62: {  	_ =	shalt  }
0x63: {  	_ =	shalt  }
0x64: {  	_ =	shalt  }
0x65: {  	_ =	shalt  }
0x66: {  	_ =	shalt  }
0x67: {  	_ =	shalt  }
0x68: {  	_ =	shalt  }
0x69: {  	_ =	shalt  }
0x6a: {  	_ =	shalt  }
0x6b: {  	_ =	shalt  }
0x6c: {  	_ =	shalt  }
0x6d: {  	_ =	shalt  }
0x6e: {  	_ =	shalt  }
0x6f: {  	_ =	shalt  }
0x70: {  	_ =	shalt  }
0x71: {  	_ =	shalt  }
0x72: {  	_ =	shalt  }
0x73: {  	_ =	shalt  }
0x74: {  	_ =	shalt  }
0x75: {  	_ =	shalt  }
0x76: {  	_ =	shalt  }
0x77: {  	_ =	shalt  }
0x78: {  	_ =	shalt  }
0x79: {  	_ =	shalt  }
0x7a: {  	_ =	shalt  }
0x7b: {  	_ =	shalt  }
0x7c: {  	_ =	shalt  }
0x7d: {  	_ =	shalt  }
0x7e: {  	_ =	shalt  }
0x7f: {  	_ =	shalt  }
0x80: {  	_ =	shalt  }
0x81: {  	_ =	shalt  }
0x82: {  	_ =	shalt  }
0x83: {  	_ =	shalt  }
0x84: {  	_ =	shalt  }
0x85: {  	_ =	shalt  }
0x86: {  	_ =	shalt  }
0x87: {  	_ =	shalt  }
.Lfunc_end0:
.L_simem_size_0:
called_computation_lowered:
.L_overlay_start_0:
0x88: {  	s2 =	sld [smem:$0x3FD9]  }
0x89: {  	s3 =	sld [smem:$0x3FFE];
	_ =	sdelay $0x1  }
0x8a: {  	s1 =	srdreg.scid  }
0x8b: {  	s0 =	sand.u32 $0x1, s1  }
0x8c: {  	s17 =	sshll.u32 s0, $0xA;
	s2 =	sadd.s32 s3, s2  }
0x8d: {  	s2 =	sadd.s32 s2, s17  }
0x8e: {  	[smem:$0x3FC4] =	sst s2  }
0x8f: {  	_ = 	snop  }
0x90: {  	(tm) =	ssettm $0x1  }
0x91: {  	s18 =	sld [smem:$0x3FFB];
	_ =	sdelay $0x3  }
0x92: {  	_ =	strace s18  }
0x93: {  	s2 =	sld [smem:$0x3FFC];
	_ =	sdelay $0x3  }
0x94: {  	_ =	strace s2  }
0x95: {  	s2 =	sld [smem:$0x3FFD];
	_ =	sdelay $0x3  }
0x96: {  	_ =	strace s2  }
0x97: {  	_ =	strace $0x8FFFFFFF  }
0x98: {  	s19 =	sld [smem:$0x3FDB];
	_ =	sdelay $0x1  }
0x99: {  	s20 =	simm.s32 $_scs_section_size  }
0x9a: {  	s4 =	simm.s32 $_size__tile_overlayer_lowered;
	s5 =	simm.s32 $_tile_overlayer_lowered  }
0x9b: {  	s6 =	simm.s32 $0x1BFF;
	s21 =	sshll.u32 s5, $0x1;
	s3 =	sadd.s32 s20, s19  }
0x9c: {  	s22 =	simm.s32 $0x0;
	s4 =	sshll.u32 s4, $0x1;
	s5 =	sadd.s32 s21, s3  }
0x9d: {  	[timem:s22], [sflag:s6] =	dma.local [hbm:s5], s4  }
0x9e: {  	_ =	swait.ge [sflag:s6], s4  }
0x9f: {  	s4 =	ssub.s32 $0x0, s4;
	[sflag:s6] =	ssyncset.done $0x0  }
0xa0: {  	[sflag:s6] =	ssyncadd.s32 s4;
	_ =	sdelay $0x1  }
0xa1: {  	s23 =	simm.s32 $0x1B8B  }
0xa2: {  	_ =	swait.ge [sflag:s23], $0x1  }
0xa3: {  	[sflag:s23] =	ssyncset.done $0x0  }
0xa4: {  	[sflag:s23] =	ssyncadd.s32 $0xFFFFFFFF  }
0xa5: {  	s4 =	sld [smem:$0x0]  }
0xa6: {  	s5 =	sand.u32 $0xFFFFFFFE, s1  }
0xa7: {  	p0 =	sne.s32 s1, s5  }
0xa8: {  	s5 =	sshll.u32 @p0 s5, $0xE  }
0xa9: {  	s5 =	sadd.s32 @p0 $0x11B8D, s5;
	s6 =	sshll.u32 @p0 s4, $0x11  }
0xaa: {  	s5 =	sor.u32 @p0 s6, s5  }
0xab: {  	[sflag:s5] =	ssyncadd.remote.s32 @p0 $0x1;
	_ =	sdelay $0x1  }
0xac: {  	s5 =	simm.s32 @p0 $0x1B8D  }
0xad: {  	_ =	swait.eq @p0 [sflag:s5], $0x1  }
0xae: {  	[sflag:s5] =	ssyncadd.s32 @p0 $0xFFFFFFFF  }
0xaf: {  	s6 =	sshll.u32 @!p0 s1, $0xE  }
0xb0: {  	s6 =	sor.u32 @!p0 $0x4000, s6;
	s5 =	simm.s32 @!p0 $0x1B8D  }
0xb1: {  	s4 =	sshll.u32 @!p0 s4, $0x11;
	s6 =	sadd.s32 @!p0 $0x11B8D, s6;
	_ =	swait.eq @!p0 [sflag:s5], $0x1  }
0xb2: {  	s4 =	sor.u32 @!p0 s4, s6;
	[sflag:s5] =	ssyncadd.s32 @!p0 $0xFFFFFFFF  }
0xb3: {  	s25 =	simm.s32 $0x1B8E;
	s24 =	sld [smem:$0x3FFE];
	[sflag:s4] =	ssyncadd.remote.s32 @!p0 $0x1  }
0xb4: {  	s26 =	simm.s32 $execute0_lowered;
	[smem:$0x3FD2] =	sst s25  }
0xb5: {  	s5 =	sshll.u32 s26, $0x1;
	_ =	strace $0x80000049;
	[dreg:$0x1] =	wrdreg $0xFFFFFFFF  }
0xb6: {  	s28 =	simm.s32 $_size_execute0_lowered;
	s3 =	sadd.s32 s3, s5;
	[dreg:$0x0] =	wrdreg $0x0  }
0xb7: {  	s5 =	sshll.u32 s28, $0x1;
	[dreg:$0x2] =	wrdreg s3  }
0xb8: {  	[dreg:$0x3] =	wrdreg s5  }
0xb9: {  	[dreg:$0x4] =	wrdreg $0xC0  }
0xba: {  	_ =	task [dreg:s22], $0x5FFFF  }
0xbb: {  	[dreg:$0x1] =	wrdreg $0xFFFFFFFF  }
0xbc: {  	[dreg:$0x0] =	wrdreg $0x60  }
0xbd: {  	[dreg:$0x2] =	wrdreg s24  }
0xbe: {  	[dreg:$0x3] =	wrdreg $0x158000  }
0xbf: {  	[dreg:$0x4] =	wrdreg $0x15B000  }
0xc0: {  	[dreg:$0x5] =	wrdreg $0x9  }
0xc1: {  	_ =	task.clear_ibuf [dreg:s22], $0x6FFFF;
	_ =	strace $0x90000049  }
0xc2: {  	s29 =	simm.s32 $0x9;
	_ =	strace $0x8000004B  }
0xc3: {  	_ =	swait.ge [sflag:s29], $0x1  }
0xc4: {  	[sflag:s29] =	ssyncadd.s32 $0xFFFFFFFF  }
0xc5: {  	_ =	strace $0x9000004B  }
0xc6: {  	_ =	sfence  }
0xc7: {  	s30 =	sld [smem:$0x0];
	_ =	sdelay $0x2  }
0xc8: {  	s31 =	sshll.u32 s1, $0xD;
	s1 =	sshrl.u32 s1, $0x2  }
0xc9: {  	s4 =	sand.u32 $0x4000, s31;
	s1 =	sadd.s32 s1, s30  }
0xca: {  	s0 =	sor.u32 s4, s0;
	s1 =	sshll.u32 s1, $0x11  }
0xcb: {  	s0 =	sor.u32 s1, s0  }
0xcc: {  	s0 =	sadd.s32 $0x8F2B, s0  }
0xcd: {  	[sflag:s0] =	ssyncadd.remote.s32 $0x1  }
0xce: {  	_ =	sfence.sel $0xFFFF  }
0xcf: {  	[dreg:$0x0] =	wrdreg $0xFFFFFFFF;
	(pc) =	sbr.abs _section_cstart, $3  }
0xd0: {  	[dreg:$0x1] =	wrdreg $0xFFFFFFFF  }
0xd1: {  	_ =	task.clear_ibuf [dreg:s22], $0x2FFFF;
	_ =	strace $0x9FFFFFFF  }
0xd2: {  	(tm) =	ssettm $0x7FFFFFFF  }
0xd3: {  	_ =	shalt  }
tec
execute0_lowered:
.L_overlay_start_1:
0x0: {  	(tag) =	ssettag $0x1  }
0x1: {  	s3 =	rddreg [dreg:$0x0]  }
0x2: {  	s7 =	rddreg [dreg:$0x1]  }
0x3: {  	s6 =	rddreg [dreg:$0x2];
	s1 =	srdreg.scid  }
0x4: {  	s0 =	rddreg [dreg:$0x3];
	s2 =	simm.s32 $0x0;
	s14 =	simm.s32 $0x15000  }
0x5: {  	s15 =	simm.s32 $0x15400;
	s16 =	simm.s32 $0xA800;
	s4 =	sand.u32 $0x1, s1  }
0x6: {  	s17 =	simm.s32 $0xB000;
	s1 =	stileid.u32;
	s5 =	smul.u32 $0x1388, s4  }
0x7: {  	s18 =	simm.s32 $0x0;
	[smem:$0x7FF] =	sst s2;
	s8 =	smul.u32 $0x138, s1  }
0x8: {  	_ =	strace $0x8000004A;
	s9 =	sshll.u32 s1, $0xC;
	s4 =	ssub.s32 $0x2, s4  }
0x9: {  	s12 =	smul.u32 $0xA000, s1;
	p0 =	sgt.u32 s1, $0xB;
	p1 =	sgt.u32 s1, $0x9  }
0xa: {  	p2 =	sne.s32 s1, $0xF;
	s10 =	sadd.s32 s9, s3;
	s11 =	sshrl.u32 s4, $0x1  }
0xb: {  	s9 =	sshrl.u32 s9, $0x2;
	s8 =	sadd.s32 s8, s5;
	s11 =	ssub.s32 s4, s11  }
0xc: {  	s4 =	sadd.s32 s9, s7;
	s30 =	sshrl.u32 s12, $0x2;
	s12 =	simm.s32 $0x1  }
0xd: {  	s5 =	sshll.u32 s8, $0x4;
	s31 =	sand.u32 $0x3C00, s8;
	s8 =	sand.u32 $0x3F8, s8  }
0xe: {  	s11 =	smax.u32 s11, $0x1;
	s13 =	sadd.s32 s5, s3;
	s3 =	sadd.s32 $0x11400, s10  }
0xf: {  	v0 =	vlaneseq.u32;
	s5 =	sadd.s32 s30, s6;
	s6 =	sadd.s32 s9, s6;
	s7 =	sadd.s32 s31, s7  }
0x10: {  	v1 =	vimm.f32 $0.0e+00;
	v2 =	vimm.f32 $1.000000000e+00;
	v3 =	vmul.u32 $0x80, v0;
	s9 =	sadd.s32 $0x48600, s13;
	s10 =	sadd.s32 $0x49980, s13;
	s13 =	simm.s32 $0x8000  }
.LBB2_1:
0x11: {  	s19 =	simm.s32 $0x70;
	s20 =	simm.s32 $0x3C0  }
.LBB2_2:
0x12: {  	p3 =	sne.s32 s20, $0x9FC0;
	[tilespmem:s19+$0x8000] =	vst v1  }
0x13: {  	[tilespmem:s19+$0x7F90] =	vst v1  }
0x14: {  	[tilespmem:s19+$0x7FA0] =	vst v1  }
.Ltmp0:
0x15: {  	[tilespmem:s19+$0x7FB0] =	vst v1;
	(pc) =	sbr.rel @p3 .LBB2_2-.Ltmp0, $4  }
0x16: {  	[tilespmem:s19+$0x7FC0] =	vst v1  }
0x17: {  	[tilespmem:s19+$0x7FD0] =	vst v1  }
0x18: {  	[tilespmem:s19+$0x7FE0] =	vst v1  }
0x19: {  	[tilespmem:s19+$0x7FF0] =	vst v1;
	s19 =	sshra.s32 s20, $0x2;
	s20 =	sadd.s32 $0x200, s20  }
0x1a: {  	[tilespmem:s19+$0x8000] =	vst v1  }
0x1b: {  	[tilespmem:s19+$0x7F90] =	vst v1  }
0x1c: {  	[tilespmem:s19+$0x7FA0] =	vst v1  }
0x1d: {  	[tilespmem:s19+$0x7FB0] =	vst v1  }
0x1e: {  	[tilespmem:s19+$0x7FC0] =	vst v1  }
0x1f: {  	[tilespmem:s19+$0x7FD0] =	vst v1  }
0x20: {  	[tilespmem:s19+$0x7FE0] =	vst v1  }
0x21: {  	[tilespmem:s19+$0x7FF0] =	vst v1  }
0x22: {  	[tilespmem:s2], [sflag:$0x1] =	stream.linear.gather [hbm4b:s3+s2], $0x7D00, $0x38;
	[tilespmem:$0x18300] =	vst v63  }
0x23: {  	_ =	swait.ge [sflag:s12], $0x7D00  }
0x24: {  	[sflag:s12] =	ssyncset.done $0x0  }
0x25: {  	s19 =	simm.s32 @!p0 $0x8000;
	[sflag:s12] =	ssyncadd.s32 $0xFFFF8300  }
0x26: {  	[spmem:s4] =	stream.linear.scatter @!p0 [tilespmem:s19], [sflag:$0x1], $0x400, $0x38;
	[tilespmem:$0x18300] =	vst v63  }
0x27: {  	s19 =	simm.s32 @!p0 $0x1  }
0x28: {  	_ =	swait.ge @!p0 [sflag:s19], $0x400  }
0x29: {  	[sflag:s19] =	ssyncset.done @!p0 $0x0  }
0x2a: {  	[sflag:s19] =	ssyncadd.s32 @!p0 $0xFFFFFC00  }
0x2b: {  	s19 =	simm.s32 $0x100;
	[bflag:$0x0] =	sbarrier.arrive $0xFFFF  }
.LBB2_4:
0x2c: {  	s20 =	sshra.s32 s19, $0x2  }
0x2d: {  	v4 =	vld [tilespmem:s20+$0xFFFFFFC0];
	_ =	sdelay $0x7  }
0x2e: {  	[tilespmem:v4+s13+$0x0] =	vst.idx.add.f32.msk $0xffff, v2  }
0x2f: {  	v4 =	vld [tilespmem:s20+$0xFFFFFFD0];
	_ =	sdelay $0x7  }
0x30: {  	[tilespmem:v4+s13+$0x0] =	vst.idx.add.f32.msk $0xffff, v2  }
0x31: {  	v4 =	vld [tilespmem:s20+$0xFFFFFFE0];
	_ =	sdelay $0x7  }
0x32: {  	[tilespmem:v4+s13+$0x0] =	vst.idx.add.f32.msk $0xffff, v2  }
0x33: {  	v4 =	vld [tilespmem:s20+$0xFFFFFFF0];
	_ =	sdelay $0x7  }
0x34: {  	[tilespmem:v4+s13+$0x0] =	vst.idx.add.f32.msk $0xffff, v2  }
0x35: {  	v4 =	vld [tilespmem:s20+$0x0];
	_ =	sdelay $0x2  }
0x36: {  	p3 =	sne.s32 s19, $0x1F300  }
.Ltmp1:
0x37: {  	_ = 	snop;
	(pc) =	sbr.rel @p3 .LBB2_4-.Ltmp1, $2  }
0x38: {  	_ =	sdelay $0x2  }
0x39: {  	s19 =	sadd.s32 $0x200, s19;
	[tilespmem:v4+s13+$0x0] =	vst.idx.add.f32.msk $0xffff, v2  }
0x3a: {  	[spmem:s5] =	stream.linear.scatter [tilespmem:s13], [sflag:$0x1], $0x2800, $0x38;
	[tilespmem:$0x18300] =	vst v63  }
.Ltmp2:
0x3b: {  	_ =	swait.ge [sflag:s12], $0x2800;
	(pc) =	sbr.rel @p1 .LBB2_9-.Ltmp2, $3  }
0x3c: {  	[sflag:s12] =	ssyncset.done $0x0  }
0x3d: {  	[sflag:s12] =	ssyncadd.s32 $0xFFFFD800  }
0x3e: {  	[bflag:$0x0] =	sbarrier.arrive $0xFFFF;
	_ =	sdelay $0x1  }
0x3f: {  	[tilespmem:$0x15400] =	vst v1  }
0x40: {  	[tilespmem:$0x15410] =	vst v1  }
0x41: {  	[tilespmem:$0x15420] =	vst v1  }
0x42: {  	[tilespmem:$0x15430] =	vst v1  }
0x43: {  	[tilespmem:$0x15440] =	vst v1  }
0x44: {  	[tilespmem:$0x15450] =	vst v1  }
0x45: {  	[tilespmem:$0x15460] =	vst v1  }
0x46: {  	[tilespmem:$0x15470] =	vst v1  }
0x47: {  	[tilespmem:$0x15480] =	vst v1  }
0x48: {  	[tilespmem:$0x15490] =	vst v1  }
0x49: {  	[tilespmem:$0x154A0] =	vst v1  }
0x4a: {  	[tilespmem:$0x154B0] =	vst v1  }
0x4b: {  	[tilespmem:$0x154C0] =	vst v1  }
0x4c: {  	[tilespmem:$0x154D0] =	vst v1  }
0x4d: {  	[tilespmem:$0x154E0] =	vst v1  }
0x4e: {  	[tilespmem:$0x154F0] =	vst v1  }
0x4f: {  	[tilespmem:$0x15500] =	vst v1  }
0x50: {  	[tilespmem:$0x15510] =	vst v1  }
0x51: {  	[tilespmem:$0x15520] =	vst v1  }
0x52: {  	[tilespmem:$0x15530] =	vst v1  }
0x53: {  	[tilespmem:$0x15540] =	vst v1  }
0x54: {  	[tilespmem:$0x15550] =	vst v1  }
0x55: {  	[tilespmem:$0x15560] =	vst v1  }
0x56: {  	[tilespmem:$0x15570] =	vst v1  }
0x57: {  	[tilespmem:$0x15580] =	vst v1  }
0x58: {  	[tilespmem:$0x15590] =	vst v1  }
0x59: {  	[tilespmem:$0x155A0] =	vst v1  }
0x5a: {  	[tilespmem:$0x155B0] =	vst v1  }
0x5b: {  	[tilespmem:$0x155C0] =	vst v1  }
0x5c: {  	[tilespmem:$0x155D0] =	vst v1  }
0x5d: {  	[tilespmem:$0x155E0] =	vst v1  }
0x5e: {  	[tilespmem:$0x155F0] =	vst v1  }
0x5f: {  	[tilespmem:$0x15600] =	vst v1  }
0x60: {  	[tilespmem:$0x15610] =	vst v1  }
0x61: {  	[tilespmem:$0x15620] =	vst v1  }
0x62: {  	[tilespmem:$0x15630] =	vst v1  }
0x63: {  	[tilespmem:$0x15640] =	vst v1  }
0x64: {  	[tilespmem:$0x15650] =	vst v1  }
0x65: {  	[tilespmem:$0x15660] =	vst v1  }
0x66: {  	[tilespmem:$0x15670] =	vst v1  }
0x67: {  	[tilespmem:$0x15680] =	vst v1  }
0x68: {  	[tilespmem:$0x15690] =	vst v1  }
0x69: {  	[tilespmem:$0x156A0] =	vst v1  }
0x6a: {  	[tilespmem:$0x156B0] =	vst v1  }
0x6b: {  	[tilespmem:$0x156C0] =	vst v1  }
0x6c: {  	[tilespmem:$0x156D0] =	vst v1  }
0x6d: {  	[tilespmem:$0x156E0] =	vst v1  }
0x6e: {  	[tilespmem:$0x156F0] =	vst v1  }
0x6f: {  	[tilespmem:$0x15700] =	vst v1  }
0x70: {  	[tilespmem:$0x15710] =	vst v1  }
0x71: {  	[tilespmem:$0x15720] =	vst v1  }
0x72: {  	[tilespmem:$0x15730] =	vst v1  }
0x73: {  	[tilespmem:$0x15740] =	vst v1  }
0x74: {  	[tilespmem:$0x15750] =	vst v1  }
0x75: {  	[tilespmem:$0x15760] =	vst v1  }
0x76: {  	[tilespmem:$0x15770] =	vst v1  }
0x77: {  	[tilespmem:$0x15780] =	vst v1  }
0x78: {  	[tilespmem:$0x15790] =	vst v1  }
0x79: {  	[tilespmem:$0x157A0] =	vst v1  }
0x7a: {  	[tilespmem:$0x157B0] =	vst v1  }
0x7b: {  	[tilespmem:$0x157C0] =	vst v1  }
0x7c: {  	[tilespmem:$0x157D0] =	vst v1  }
0x7d: {  	[tilespmem:$0x157E0] =	vst v1  }
0x7e: {  	[tilespmem:$0x157F0] =	vst v1;
	s19 =	sadd.s32 $0x0, s6  }
0x7f: {  	[tilespmem:s14], [sflag:$0x1] =	stream.linear.gather [spmem:s19], $0x400, $0x38;
	[tilespmem:$0x18300] =	vst v63  }
0x80: {  	_ =	swait.ge [sflag:s12], $0x400  }
0x81: {  	[sflag:s12] =	ssyncset.done $0x0  }
0x82: {  	[sflag:s12] =	ssyncadd.s32 $0xFFFFFC00  }
0x83: {  	v4 =	vld [tilespmem:$0x152B0]  }
0x84: {  	v6 =	vld [tilespmem:$0x15410]  }
0x85: {  	v7 =	vld [tilespmem:$0x15010]  }
0x86: {  	v8 =	vld [tilespmem:$0x15420]  }
0x87: {  	v9 =	vld [tilespmem:$0x15020]  }
0x88: {  	v10 =	vld [tilespmem:$0x15430]  }
0x89: {  	v11 =	vld [tilespmem:$0x15030]  }
0x8a: {  	v12 =	vld [tilespmem:$0x15440]  }
0x8b: {  	v13 =	vld [tilespmem:$0x15040]  }
0x8c: {  	v14 =	vld [tilespmem:$0x15450]  }
0x8d: {  	v15 =	vld [tilespmem:$0x15050]  }
0x8e: {  	v16 =	vld [tilespmem:$0x15460]  }
0x8f: {  	v17 =	vld [tilespmem:$0x15060]  }
0x90: {  	v18 =	vld [tilespmem:$0x15470]  }
0x91: {  	v19 =	vld [tilespmem:$0x15070]  }
0x92: {  	v20 =	vld [tilespmem:$0x15480]  }
0x93: {  	v21 =	vld [tilespmem:$0x15080]  }
0x94: {  	v22 =	vld [tilespmem:$0x15490]  }
0x95: {  	v23 =	vld [tilespmem:$0x15090]  }
0x96: {  	v24 =	vld [tilespmem:$0x154A0]  }
0x97: {  	v25 =	vld [tilespmem:$0x150A0]  }
0x98: {  	v26 =	vld [tilespmem:$0x154B0]  }
0x99: {  	v27 =	vld [tilespmem:$0x150B0]  }
0x9a: {  	v28 =	vld [tilespmem:$0x154C0]  }
0x9b: {  	v29 =	vld [tilespmem:$0x150C0]  }
0x9c: {  	v30 =	vld [tilespmem:$0x154D0]  }
0x9d: {  	v31 =	vld [tilespmem:$0x150D0]  }
0x9e: {  	v32 =	vld [tilespmem:$0x154E0]  }
0x9f: {  	v33 =	vld [tilespmem:$0x150E0]  }
0xa0: {  	v34 =	vld [tilespmem:$0x154F0]  }
0xa1: {  	v35 =	vld [tilespmem:$0x150F0]  }
0xa2: {  	v36 =	vld [tilespmem:$0x15500]  }
0xa3: {  	v37 =	vld [tilespmem:$0x15100]  }
0xa4: {  	v38 =	vld [tilespmem:$0x15510]  }
0xa5: {  	v39 =	vld [tilespmem:$0x15110]  }
0xa6: {  	v40 =	vld [tilespmem:$0x15520]  }
0xa7: {  	v41 =	vld [tilespmem:$0x15120]  }
0xa8: {  	v42 =	vld [tilespmem:$0x15530]  }
0xa9: {  	v43 =	vld [tilespmem:$0x15130]  }
0xaa: {  	v44 =	vld [tilespmem:$0x15540]  }
0xab: {  	v45 =	vld [tilespmem:$0x15140]  }
0xac: {  	v46 =	vld [tilespmem:$0x15550]  }
0xad: {  	v47 =	vld [tilespmem:$0x15150]  }
0xae: {  	v48 =	vld [tilespmem:$0x15560]  }
0xaf: {  	v49 =	vld [tilespmem:$0x15160]  }
0xb0: {  	v50 =	vld [tilespmem:$0x15570]  }
0xb1: {  	v51 =	vld [tilespmem:$0x15170]  }
0xb2: {  	v52 =	vld [tilespmem:$0x15580]  }
0xb3: {  	v53 =	vld [tilespmem:$0x15180]  }
0xb4: {  	v54 =	vld [tilespmem:$0x15590]  }
0xb5: {  	v55 =	vld [tilespmem:$0x15190]  }
0xb6: {  	v56 =	vld [tilespmem:$0x155A0]  }
0xb7: {  	v57 =	vld [tilespmem:$0x151A0]  }
0xb8: {  	v58 =	vld [tilespmem:$0x155B0]  }
0xb9: {  	v59 =	vld [tilespmem:$0x151B0]  }
0xba: {  	v60 =	vld [tilespmem:$0x155C0]  }
0xbb: {  	v5 =	vld [tilespmem:$0x155F0]  }
0xbc: {  	v61 =	vld [tilespmem:$0x151C0]  }
0xbd: {  	v62 =	vld [tilespmem:$0x155D0]  }
0xbe: {  	v63 =	vld [tilespmem:$0x151D0]  }
0xbf: {  	[tilespmem:$0x1FFE0] =	vst v4;
	v4 =	vld [tilespmem:$0x15000]  }
0xc0: {  	[tilespmem:$0x1FF80] =	vst v5;
	v5 =	vld [tilespmem:$0x151F0]  }
0xc1: {  	v6 =	vadd.f32 v7, v6;
	v7 =	vld [tilespmem:$0x15620]  }
0xc2: {  	v8 =	vadd.f32 v9, v8;
	v9 =	vld [tilespmem:$0x15220]  }
0xc3: {  	v17 =	vadd.f32 v17, v16;
	v16 =	vld [tilespmem:$0x15660]  }
0xc4: {  	v21 =	vadd.f32 v21, v20;
	v20 =	vld [tilespmem:$0x15680]  }
0xc5: {  	v25 =	vadd.f32 v25, v24;
	v24 =	vld [tilespmem:$0x156A0]  }
0xc6: {  	v29 =	vadd.f32 v29, v28;
	v28 =	vld [tilespmem:$0x156C0]  }
0xc7: {  	v33 =	vadd.f32 v33, v32;
	v32 =	vld [tilespmem:$0x156E0];
	[tilespmem:$0x15410] =	vst v6  }
0xc8: {  	v41 =	vadd.f32 v41, v40;
	v40 =	vld [tilespmem:$0x15740];
	v6 =	vadd.f32 v11, v10;
	[tilespmem:$0x15420] =	vst v8  }
0xc9: {  	v45 =	vadd.f32 v45, v44;
	v44 =	vld [tilespmem:$0x15760];
	[tilespmem:$0x15460] =	vst v17  }
0xca: {  	v10 =	vld [tilespmem:$0x15630];
	[tilespmem:$0x15430] =	vst v6;
	v6 =	vadd.f32 v15, v14  }
0xcb: {  	v11 =	vld [tilespmem:$0x15230];
	[tilespmem:$0x15480] =	vst v21  }
0xcc: {  	v8 =	vadd.f32 v13, v12;
	v12 =	vld [tilespmem:$0x15640];
	[tilespmem:$0x15450] =	vst v6;
	v6 =	vadd.f32 v19, v18  }
0xcd: {  	v13 =	vld [tilespmem:$0x15240];
	[tilespmem:$0x154A0] =	vst v25  }
0xce: {  	v17 =	vld [tilespmem:$0x15260];
	[tilespmem:$0x15470] =	vst v6;
	v6 =	vadd.f32 v23, v22  }
0xcf: {  	v21 =	vld [tilespmem:$0x15280];
	[tilespmem:$0x1FF90] =	vst v5  }
0xd0: {  	v5 =	vld [tilespmem:$0x15600];
	[tilespmem:$0x15490] =	vst v6;
	v6 =	vadd.f32 v27, v26  }
0xd1: {  	v25 =	vld [tilespmem:$0x152A0];
	[tilespmem:$0x15520] =	vst v41  }
0xd2: {  	v41 =	vld [tilespmem:$0x15340];
	[tilespmem:$0x154B0] =	vst v6;
	v6 =	vadd.f32 v31, v30  }
0xd3: {  	[tilespmem:$0x15540] =	vst v45;
	v45 =	vld [tilespmem:$0x15360]  }
0xd4: {  	v14 =	vld [tilespmem:$0x15650];
	[tilespmem:$0x154D0] =	vst v6;
	v6 =	vadd.f32 v35, v34  }
0xd5: {  	v15 =	vld [tilespmem:$0x15250];
	[tilespmem:$0x1FFA0] =	vst v5  }
0xd6: {  	v5 =	vld [tilespmem:$0x15200];
	[tilespmem:$0x154F0] =	vst v6;
	v6 =	vadd.f32 v39, v38  }
0xd7: {  	[tilespmem:$0x1FFF0] =	vst v4;
	v4 =	vld [tilespmem:$0x155E0]  }
0xd8: {  	v18 =	vld [tilespmem:$0x15670];
	[tilespmem:$0x15510] =	vst v6;
	v6 =	vadd.f32 v43, v42  }
0xd9: {  	v19 =	vld [tilespmem:$0x15270]  }
0xda: {  	v22 =	vld [tilespmem:$0x15690];
	[tilespmem:$0x15530] =	vst v6;
	v6 =	vadd.f32 v47, v46  }
0xdb: {  	v23 =	vld [tilespmem:$0x15290];
	[tilespmem:$0x1FFB0] =	vst v5  }
0xdc: {  	v5 =	vld [tilespmem:$0x15610];
	[tilespmem:$0x15550] =	vst v6;
	v6 =	vadd.f32 v51, v50  }
0xdd: {  	[tilespmem:$0x1FF70] =	vst v4;
	v4 =	vld [tilespmem:$0x151E0]  }
0xde: {  	v26 =	vld [tilespmem:$0x156B0];
	[tilespmem:$0x15570] =	vst v6;
	v6 =	vadd.f32 v55, v54  }
0xdf: {  	v27 =	vld [tilespmem:$0x15400]  }
0xe0: {  	v30 =	vld [tilespmem:$0x156D0];
	[tilespmem:$0x15590] =	vst v6;
	v6 =	vadd.f32 v59, v58  }
0xe1: {  	v39 =	vld [tilespmem:$0x15330];
	[tilespmem:$0x1FFC0] =	vst v5  }
0xe2: {  	v5 =	vld [tilespmem:$0x15210];
	[tilespmem:$0x155B0] =	vst v6;
	v6 =	vadd.f32 v63, v62  }
0xe3: {  	v51 =	vadd.f32 v57, v56;
	v57 =	vld [tilespmem:$0x1FF90]  }
0xe4: {  	[tilespmem:$0x155D0] =	vst v6;
	v6 =	vld [tilespmem:$0x1FF80]  }
0xe5: {  	v42 =	vld [tilespmem:$0x15750]  }
0xe6: {  	[tilespmem:$0x154C0] =	vst v29;
	v43 =	vld [tilespmem:$0x15350]  }
0xe7: {  	v37 =	vadd.f32 v37, v36;
	[tilespmem:$0x1FFD0] =	vst v5;
	v5 =	vld [tilespmem:$0x1FF70]  }
0xe8: {  	[tilespmem:$0x154E0] =	vst v33;
	v50 =	vld [tilespmem:$0x152D0]  }
0xe9: {  	[tilespmem:$0x15500] =	vst v37;
	v54 =	vadd.f32 v61, v60;
	v60 =	vld [tilespmem:$0x15310];
	v6 =	vadd.f32 v57, v6  }
0xea: {  	[tilespmem:$0x15440] =	vst v8;
	v47 =	vadd.f32 v49, v48;
	v61 =	vld [tilespmem:$0x1FFD0]  }
0xeb: {  	v49 =	vadd.f32 v53, v52;
	[tilespmem:$0x155F0] =	vst v6;
	v6 =	vld [tilespmem:$0x1FFC0]  }
0xec: {  	[tilespmem:$0x15560] =	vst v47;
	v58 =	vld [tilespmem:$0x15710];
	v4 =	vadd.f32 v4, v5  }
0xed: {  	[tilespmem:$0x15580] =	vst v49;
	v59 =	vld [tilespmem:$0x1FFB0]  }
0xee: {  	[tilespmem:$0x155E0] =	vst v4;
	v4 =	vld [tilespmem:$0x1FFA0]  }
0xef: {  	v48 =	vld [tilespmem:$0x152C0];
	[tilespmem:$0x155A0] =	vst v51;
	v49 =	vadd.f32 v50, v30  }
0xf0: {  	v52 =	vld [tilespmem:$0x152E0];
	[tilespmem:$0x155C0] =	vst v54;
	v6 =	vadd.f32 v61, v6  }
0xf1: {  	v53 =	vld [tilespmem:$0x156F0];
	[tilespmem:$0x156D0] =	vst v49;
	v8 =	vadd.f32 v60, v58  }
0xf2: {  	v46 =	vld [tilespmem:$0x15770];
	[tilespmem:$0x15610] =	vst v6;
	v6 =	vadd.f32 v11, v10  }
0xf3: {  	v56 =	vld [tilespmem:$0x15700];
	[tilespmem:$0x15710] =	vst v8;
	v4 =	vadd.f32 v59, v4  }
0xf4: {  	v47 =	vld [tilespmem:$0x1FFF0];
	[tilespmem:$0x15630] =	vst v6;
	v6 =	vadd.f32 v15, v14  }
0xf5: {  	v55 =	vld [tilespmem:$0x152F0];
	[tilespmem:$0x15600] =	vst v4;
	v4 =	vadd.f32 v9, v7  }
0xf6: {  	v5 =	vld [tilespmem:$0x15300];
	[tilespmem:$0x15650] =	vst v6;
	v6 =	vadd.f32 v19, v18  }
0xf7: {  	v62 =	vld [tilespmem:$0x15720];
	[tilespmem:$0x15620] =	vst v4;
	v4 =	vadd.f32 v13, v12  }
0xf8: {  	v7 =	vld [tilespmem:$0x15320];
	[tilespmem:$0x15670] =	vst v6;
	v6 =	vadd.f32 v23, v22  }
0xf9: {  	v51 =	vld [tilespmem:$0x15790];
	v58 =	vadd.f32 v43, v42;
	[tilespmem:$0x15640] =	vst v4  }
0xfa: {  	v4 =	vadd.f32 v17, v16;
	[tilespmem:$0x15690] =	vst v6;
	v6 =	vld [tilespmem:$0x1FFE0]  }
0xfb: {  	v54 =	vld [tilespmem:$0x153A0];
	[tilespmem:$0x15750] =	vst v58;
	v5 =	vadd.f32 v5, v56  }
0xfc: {  	v50 =	vld [tilespmem:$0x15380];
	[tilespmem:$0x15660] =	vst v4;
	v4 =	vadd.f32 v21, v20  }
0xfd: {  	v63 =	vld [tilespmem:$0x15730];
	[tilespmem:$0x15700] =	vst v5;
	v5 =	vadd.f32 v7, v62  }
0xfe: {  	v60 =	vld [tilespmem:$0x157D0];
	[tilespmem:$0x15680] =	vst v4;
	v4 =	vadd.f32 v25, v24  }
0xff: {  	v56 =	vld [tilespmem:$0x153B0];
	[tilespmem:$0x15720] =	vst v5;
	v6 =	vadd.f32 v6, v26  }
0x100: {  	v5 =	vadd.f32 v41, v40;
	[tilespmem:$0x156A0] =	vst v4;
	v4 =	vld [tilespmem:$0x15370]  }
0x101: {  	v57 =	vld [tilespmem:$0x157C0];
	[tilespmem:$0x156B0] =	vst v6;
	v6 =	vadd.f32 v48, v28  }
0x102: {  	v59 =	vld [tilespmem:$0x153C0];
	v18 =	vadd.f32 v47, v27;
	[tilespmem:$0x15740] =	vst v5  }
0x103: {  	v48 =	vld [tilespmem:$0x15780];
	[tilespmem:$0x156C0] =	vst v6;
	v6 =	vadd.f32 v52, v32  }
0x104: {  	v5 =	vadd.f32 v45, v44;
	[tilespmem:$0x15400] =	vst v18;
	v52 =	vadd.f32 v55, v53;
	v53 =	vld [tilespmem:$0x15390]  }
0x105: {  	v4 =	vadd.f32 v4, v46;
	[tilespmem:$0x156E0] =	vst v6;
	v6 =	vld [tilespmem:$0x157A0]  }
0x106: {  	v7 =	vld [tilespmem:$0x157B0];
	[tilespmem:$0x15760] =	vst v5  }
0x107: {  	v61 =	vld [tilespmem:$0x153D0];
	[tilespmem:$0x15770] =	vst v4;
	v55 =	vadd.f32 v39, v63  }
0x108: {  	v62 =	vld [tilespmem:$0x157E0];
	[tilespmem:$0x156F0] =	vst v52;
	v5 =	vadd.f32 v50, v48  }
0x109: {  	v63 =	vld [tilespmem:$0x153E0];
	[tilespmem:$0x15730] =	vst v55;
	v4 =	vadd.f32 v53, v51  }
0x10a: {  	[tilespmem:$0x15780] =	vst v5;
	v5 =	vadd.f32 v54, v6;
	v6 =	vld [tilespmem:$0x157F0]  }
0x10b: {  	[tilespmem:$0x15790] =	vst v4;
	v4 =	vadd.f32 v56, v7;
	v7 =	vld [tilespmem:$0x153F0]  }
0x10c: {  	[tilespmem:$0x157A0] =	vst v5;
	v5 =	vadd.f32 v59, v57  }
0x10d: {  	[tilespmem:$0x157B0] =	vst v4;
	v4 =	vadd.f32 v61, v60  }
0x10e: {  	[tilespmem:$0x157C0] =	vst v5;
	v5 =	vadd.f32 v63, v62  }
0x10f: {  	[tilespmem:$0x157D0] =	vst v4  }
0x110: {  	s19 =	simm.s32 $0xA000;
	v4 =	vadd.f32 v7, v6;
	[tilespmem:$0x157E0] =	vst v5  }
.LBB2_7:
0x111: {  	_ = 	snop  }
0x112: {  	s20 =	sshra.s32 s19, $0x2;
	p3 =	sne.s32 s19, $0x96000;
	s19 =	sadd.s32 $0xA000, s19;
	[tilespmem:$0x157F0] =	vst v4  }
0x113: {  	s20 =	sadd.s32 s20, s6  }
0x114: {  	[tilespmem:s14], [sflag:$0x1] =	stream.linear.gather [spmem:s20], $0x400, $0x38;
	[tilespmem:$0x18300] =	vst v63  }
0x115: {  	_ =	swait.ge [sflag:s12], $0x400  }
0x116: {  	[sflag:s12] =	ssyncset.done $0x0  }
0x117: {  	[sflag:s12] =	ssyncadd.s32 $0xFFFFFC00  }
0x118: {  	v5 =	vld [tilespmem:$0x152B0]  }
0x119: {  	v4 =	vld [tilespmem:$0x15000]  }
0x11a: {  	v6 =	vld [tilespmem:$0x15410]  }
0x11b: {  	v7 =	vld [tilespmem:$0x15010]  }
0x11c: {  	v8 =	vld [tilespmem:$0x15420]  }
0x11d: {  	v9 =	vld [tilespmem:$0x15020]  }
0x11e: {  	v10 =	vld [tilespmem:$0x15430]  }
0x11f: {  	v11 =	vld [tilespmem:$0x15030]  }
0x120: {  	v6 =	vadd.f32 v7, v6;
	v7 =	vld [tilespmem:$0x15440]  }
0x121: {  	v12 =	vld [tilespmem:$0x15040]  }
0x122: {  	[tilespmem:$0x15410] =	vst v6;
	v6 =	vadd.f32 v9, v8;
	v8 =	vld [tilespmem:$0x15450]  }
0x123: {  	v9 =	vld [tilespmem:$0x15050]  }
0x124: {  	[tilespmem:$0x15420] =	vst v6;
	v6 =	vadd.f32 v11, v10;
	v10 =	vld [tilespmem:$0x15460]  }
0x125: {  	v11 =	vld [tilespmem:$0x15060]  }
0x126: {  	[tilespmem:$0x15430] =	vst v6;
	v6 =	vadd.f32 v12, v7;
	v7 =	vld [tilespmem:$0x15470]  }
0x127: {  	v12 =	vld [tilespmem:$0x15070]  }
0x128: {  	[tilespmem:$0x15440] =	vst v6;
	v6 =	vadd.f32 v9, v8;
	v8 =	vld [tilespmem:$0x15480]  }
0x129: {  	v9 =	vld [tilespmem:$0x15080]  }
0x12a: {  	[tilespmem:$0x15450] =	vst v6;
	v6 =	vadd.f32 v11, v10;
	v10 =	vld [tilespmem:$0x15490]  }
0x12b: {  	v11 =	vld [tilespmem:$0x15090]  }
0x12c: {  	[tilespmem:$0x15460] =	vst v6;
	v6 =	vadd.f32 v12, v7;
	v7 =	vld [tilespmem:$0x154A0]  }
0x12d: {  	v12 =	vld [tilespmem:$0x150A0]  }
0x12e: {  	[tilespmem:$0x15470] =	vst v6;
	v6 =	vadd.f32 v9, v8;
	v8 =	vld [tilespmem:$0x154B0]  }
0x12f: {  	v9 =	vld [tilespmem:$0x150B0]  }
0x130: {  	[tilespmem:$0x15480] =	vst v6;
	v6 =	vadd.f32 v11, v10;
	v10 =	vld [tilespmem:$0x154C0]  }
0x131: {  	v11 =	vld [tilespmem:$0x150C0]  }
0x132: {  	[tilespmem:$0x15490] =	vst v6;
	v6 =	vadd.f32 v12, v7;
	v7 =	vld [tilespmem:$0x154D0]  }
0x133: {  	v12 =	vld [tilespmem:$0x150D0]  }
0x134: {  	[tilespmem:$0x154A0] =	vst v6;
	v6 =	vadd.f32 v9, v8;
	v8 =	vld [tilespmem:$0x154E0]  }
0x135: {  	v9 =	vld [tilespmem:$0x150E0]  }
0x136: {  	[tilespmem:$0x154B0] =	vst v6;
	v6 =	vadd.f32 v11, v10;
	v10 =	vld [tilespmem:$0x154F0]  }
0x137: {  	v11 =	vld [tilespmem:$0x150F0]  }
0x138: {  	[tilespmem:$0x154C0] =	vst v6;
	v6 =	vadd.f32 v12, v7;
	v7 =	vld [tilespmem:$0x15500]  }
0x139: {  	v12 =	vld [tilespmem:$0x15100]  }
0x13a: {  	[tilespmem:$0x154D0] =	vst v6;
	v6 =	vadd.f32 v9, v8;
	v8 =	vld [tilespmem:$0x15510]  }
0x13b: {  	v9 =	vld [tilespmem:$0x15110]  }
0x13c: {  	[tilespmem:$0x154E0] =	vst v6;
	v6 =	vadd.f32 v11, v10;
	v10 =	vld [tilespmem:$0x15520]  }
0x13d: {  	v11 =	vld [tilespmem:$0x15120]  }
0x13e: {  	[tilespmem:$0x154F0] =	vst v6;
	v6 =	vadd.f32 v12, v7;
	v7 =	vld [tilespmem:$0x15530]  }
0x13f: {  	v12 =	vld [tilespmem:$0x15130]  }
0x140: {  	[tilespmem:$0x15500] =	vst v6;
	v6 =	vadd.f32 v9, v8;
	v8 =	vld [tilespmem:$0x15540]  }
0x141: {  	v9 =	vld [tilespmem:$0x15140]  }
0x142: {  	[tilespmem:$0x15510] =	vst v6;
	v6 =	vadd.f32 v11, v10;
	v10 =	vld [tilespmem:$0x15550]  }
0x143: {  	v11 =	vld [tilespmem:$0x15150]  }
0x144: {  	[tilespmem:$0x15520] =	vst v6;
	v6 =	vadd.f32 v12, v7;
	v7 =	vld [tilespmem:$0x15560]  }
0x145: {  	v12 =	vld [tilespmem:$0x15160]  }
0x146: {  	[tilespmem:$0x15530] =	vst v6;
	v6 =	vadd.f32 v9, v8;
	v8 =	vld [tilespmem:$0x15570]  }
0x147: {  	v9 =	vld [tilespmem:$0x15170]  }
0x148: {  	[tilespmem:$0x15540] =	vst v6;
	v6 =	vadd.f32 v11, v10;
	v10 =	vld [tilespmem:$0x15580]  }
0x149: {  	v11 =	vld [tilespmem:$0x15180]  }
0x14a: {  	[tilespmem:$0x15550] =	vst v6;
	v6 =	vadd.f32 v12, v7;
	v7 =	vld [tilespmem:$0x15590]  }
0x14b: {  	v12 =	vld [tilespmem:$0x15190]  }
0x14c: {  	[tilespmem:$0x15560] =	vst v6;
	v6 =	vadd.f32 v9, v8;
	v8 =	vld [tilespmem:$0x155A0]  }
0x14d: {  	v9 =	vld [tilespmem:$0x151A0]  }
0x14e: {  	[tilespmem:$0x15570] =	vst v6;
	v6 =	vadd.f32 v11, v10;
	v10 =	vld [tilespmem:$0x155B0]  }
0x14f: {  	v11 =	vld [tilespmem:$0x151B0]  }
0x150: {  	[tilespmem:$0x15580] =	vst v6;
	v6 =	vadd.f32 v12, v7;
	v7 =	vld [tilespmem:$0x155C0]  }
0x151: {  	v12 =	vld [tilespmem:$0x151C0]  }
0x152: {  	[tilespmem:$0x15590] =	vst v6;
	v6 =	vadd.f32 v9, v8;
	v8 =	vld [tilespmem:$0x155D0]  }
0x153: {  	v9 =	vld [tilespmem:$0x151D0]  }
0x154: {  	[tilespmem:$0x155A0] =	vst v6;
	v6 =	vadd.f32 v11, v10;
	v10 =	vld [tilespmem:$0x155E0]  }
0x155: {  	v11 =	vld [tilespmem:$0x151E0]  }
0x156: {  	[tilespmem:$0x155B0] =	vst v6;
	v6 =	vadd.f32 v12, v7;
	v7 =	vld [tilespmem:$0x155F0]  }
0x157: {  	v12 =	vld [tilespmem:$0x151F0]  }
0x158: {  	[tilespmem:$0x155C0] =	vst v6;
	v6 =	vadd.f32 v9, v8;
	v8 =	vld [tilespmem:$0x15600]  }
0x159: {  	v9 =	vld [tilespmem:$0x15200]  }
0x15a: {  	[tilespmem:$0x155D0] =	vst v6;
	v6 =	vadd.f32 v11, v10;
	v10 =	vld [tilespmem:$0x15610]  }
0x15b: {  	v11 =	vld [tilespmem:$0x15210]  }
0x15c: {  	[tilespmem:$0x155E0] =	vst v6;
	v6 =	vadd.f32 v12, v7;
	v7 =	vld [tilespmem:$0x15620]  }
0x15d: {  	v12 =	vld [tilespmem:$0x15220]  }
0x15e: {  	[tilespmem:$0x155F0] =	vst v6;
	v6 =	vadd.f32 v9, v8;
	v8 =	vld [tilespmem:$0x15630]  }
0x15f: {  	v9 =	vld [tilespmem:$0x15230]  }
0x160: {  	[tilespmem:$0x15600] =	vst v6;
	v6 =	vadd.f32 v11, v10;
	v10 =	vld [tilespmem:$0x15640]  }
0x161: {  	v11 =	vld [tilespmem:$0x15240]  }
0x162: {  	[tilespmem:$0x15610] =	vst v6;
	v6 =	vadd.f32 v12, v7;
	v7 =	vld [tilespmem:$0x15650]  }
0x163: {  	v12 =	vld [tilespmem:$0x15250]  }
0x164: {  	[tilespmem:$0x15620] =	vst v6;
	v6 =	vadd.f32 v9, v8;
	v8 =	vld [tilespmem:$0x15660]  }
0x165: {  	v9 =	vld [tilespmem:$0x15260]  }
0x166: {  	[tilespmem:$0x15630] =	vst v6;
	v6 =	vadd.f32 v11, v10;
	v10 =	vld [tilespmem:$0x15670]  }
0x167: {  	v11 =	vld [tilespmem:$0x15270]  }
0x168: {  	[tilespmem:$0x15640] =	vst v6;
	v6 =	vadd.f32 v12, v7;
	v7 =	vld [tilespmem:$0x15680]  }
0x169: {  	v12 =	vld [tilespmem:$0x15280]  }
0x16a: {  	[tilespmem:$0x15650] =	vst v6;
	v6 =	vadd.f32 v9, v8;
	v8 =	vld [tilespmem:$0x15690]  }
0x16b: {  	v9 =	vld [tilespmem:$0x15290]  }
0x16c: {  	[tilespmem:$0x15660] =	vst v6;
	v6 =	vadd.f32 v11, v10;
	v10 =	vld [tilespmem:$0x156A0]  }
0x16d: {  	v11 =	vld [tilespmem:$0x152A0]  }
0x16e: {  	[tilespmem:$0x15670] =	vst v6;
	v6 =	vadd.f32 v12, v7;
	v7 =	vld [tilespmem:$0x156B0]  }
0x16f: {  	v12 =	vld [tilespmem:$0x15400]  }
0x170: {  	[tilespmem:$0x15680] =	vst v6;
	v6 =	vadd.f32 v9, v8;
	v8 =	vld [tilespmem:$0x156C0]  }
0x171: {  	v9 =	vld [tilespmem:$0x152C0]  }
0x172: {  	[tilespmem:$0x15690] =	vst v6;
	v6 =	vadd.f32 v11, v10;
	v10 =	vld [tilespmem:$0x156D0]  }
0x173: {  	v5 =	vadd.f32 v5, v7;
	v7 =	vld [tilespmem:$0x152D0]  }
0x174: {  	v4 =	vadd.f32 v4, v12;
	[tilespmem:$0x156A0] =	vst v6;
	v6 =	vld [tilespmem:$0x156E0]  }
0x175: {  	[tilespmem:$0x156B0] =	vst v5;
	v5 =	vld [tilespmem:$0x152E0]  }
0x176: {  	[tilespmem:$0x15400] =	vst v4;
	v4 =	vadd.f32 v9, v8;
	v8 =	vld [tilespmem:$0x156F0]  }
0x177: {  	v9 =	vld [tilespmem:$0x152F0]  }
0x178: {  	[tilespmem:$0x156C0] =	vst v4;
	v4 =	vadd.f32 v7, v10;
	v7 =	vld [tilespmem:$0x15700]  }
0x179: {  	v10 =	vld [tilespmem:$0x15300]  }
0x17a: {  	[tilespmem:$0x156D0] =	vst v4;
	v4 =	vadd.f32 v5, v6;
	v5 =	vld [tilespmem:$0x15710]  }
0x17b: {  	v6 =	vld [tilespmem:$0x15310]  }
0x17c: {  	[tilespmem:$0x156E0] =	vst v4;
	v4 =	vadd.f32 v9, v8;
	v8 =	vld [tilespmem:$0x15720]  }
0x17d: {  	v9 =	vld [tilespmem:$0x15320]  }
0x17e: {  	[tilespmem:$0x156F0] =	vst v4;
	v4 =	vadd.f32 v10, v7;
	v7 =	vld [tilespmem:$0x15730]  }
0x17f: {  	v10 =	vld [tilespmem:$0x15330]  }
0x180: {  	[tilespmem:$0x15700] =	vst v4;
	v4 =	vadd.f32 v6, v5;
	v5 =	vld [tilespmem:$0x15740]  }
0x181: {  	v6 =	vld [tilespmem:$0x15340]  }
0x182: {  	[tilespmem:$0x15710] =	vst v4;
	v4 =	vadd.f32 v9, v8;
	v8 =	vld [tilespmem:$0x15750]  }
0x183: {  	v9 =	vld [tilespmem:$0x15350]  }
0x184: {  	[tilespmem:$0x15720] =	vst v4;
	v4 =	vadd.f32 v10, v7;
	v7 =	vld [tilespmem:$0x15760]  }
0x185: {  	v10 =	vld [tilespmem:$0x15360]  }
0x186: {  	[tilespmem:$0x15730] =	vst v4;
	v4 =	vadd.f32 v6, v5;
	v5 =	vld [tilespmem:$0x15770]  }
0x187: {  	v6 =	vld [tilespmem:$0x15370]  }
0x188: {  	[tilespmem:$0x15740] =	vst v4;
	v4 =	vadd.f32 v9, v8;
	v8 =	vld [tilespmem:$0x15780]  }
0x189: {  	v9 =	vld [tilespmem:$0x15380]  }
0x18a: {  	[tilespmem:$0x15750] =	vst v4;
	v4 =	vadd.f32 v10, v7;
	v7 =	vld [tilespmem:$0x15790]  }
0x18b: {  	v10 =	vld [tilespmem:$0x15390]  }
0x18c: {  	[tilespmem:$0x15760] =	vst v4;
	v4 =	vadd.f32 v6, v5;
	v5 =	vld [tilespmem:$0x157A0]  }
0x18d: {  	v6 =	vld [tilespmem:$0x153A0]  }
0x18e: {  	[tilespmem:$0x15770] =	vst v4;
	v4 =	vadd.f32 v9, v8;
	v8 =	vld [tilespmem:$0x157B0]  }
0x18f: {  	v9 =	vld [tilespmem:$0x153B0]  }
0x190: {  	[tilespmem:$0x15780] =	vst v4;
	v4 =	vadd.f32 v10, v7;
	v7 =	vld [tilespmem:$0x157C0]  }
0x191: {  	v10 =	vld [tilespmem:$0x153C0]  }
0x192: {  	[tilespmem:$0x15790] =	vst v4;
	v4 =	vadd.f32 v6, v5;
	v5 =	vld [tilespmem:$0x157D0]  }
0x193: {  	v6 =	vld [tilespmem:$0x153D0]  }
0x194: {  	[tilespmem:$0x157A0] =	vst v4;
	v4 =	vadd.f32 v9, v8;
	v8 =	vld [tilespmem:$0x157E0]  }
0x195: {  	v9 =	vld [tilespmem:$0x153E0]  }
0x196: {  	[tilespmem:$0x157B0] =	vst v4;
	v4 =	vadd.f32 v10, v7;
	v7 =	vld [tilespmem:$0x157F0]  }
0x197: {  	v10 =	vld [tilespmem:$0x153F0]  }
.Ltmp3:
0x198: {  	[tilespmem:$0x157C0] =	vst v4;
	v4 =	vadd.f32 v6, v5;
	(pc) =	sbr.rel @p3 .LBB2_7-.Ltmp3, $3  }
0x199: {  	_ = 	snop  }
0x19a: {  	[tilespmem:$0x157D0] =	vst v4;
	v4 =	vadd.f32 v9, v8;
	_ =	sdelay $0x1  }
0x19b: {  	[tilespmem:$0x157E0] =	vst v4;
	v4 =	vadd.f32 v10, v7  }
0x19c: {  	_ = 	snop  }
0x19d: {  	[tilespmem:$0x157F0] =	vst v4  }
0x19e: {  	[spmem:s4] =	stream.linear.scatter [tilespmem:s15], [sflag:$0x1], $0x400, $0x38;
	[tilespmem:$0x18300] =	vst v63  }
0x19f: {  	_ =	swait.ge [sflag:s12], $0x400  }
0x1a0: {  	[sflag:s12] =	ssyncset.done $0x0  }
0x1a1: {  	[sflag:s12] =	ssyncadd.s32 $0xFFFFFC00  }
.LBB2_9:
0x1a2: {  	s19 =	sadd.s32 $0x0, s8  }
0x1a3: {  	[bflag:$0x0] =	sbarrier.arrive $0xFFFF;
	v4 =	vadd.s32 s19, v0  }
0x1a4: {  	[tilespmem:s16], [sflag:$0x1] =	stream.linear.gather [spmem:s7], $0x800, $0x38;
	[tilespmem:$0x18300] =	vst v63  }
0x1a5: {  	s31 =	simm.s32 $0x0;
	_ =	swait.ge [sflag:s12], $0x800  }
0x1a6: {  	v5 =	vmov s31;
	[sflag:s12] =	ssyncset.done $0x0  }
0x1a7: {  	v5 =	vshll.u32 v5, $0x7;
	[sflag:s12] =	ssyncadd.s32 $0xFFFFF800  }
0x1a8: {  	s21 =	sadd.s32 $0x10, s8;
	s20 =	simm.s32 $0x20;
	s19 =	simm.s32 $0x10;
	v5 =	vor.u32 v3, v5;
	v4 =	vld.idx.msk [tilespmem:v4+s16+$0x0], $0xffff  }
.LBB2_10:
0x1a9: {  	p3 =	sne.s32 s20, $0x130;
	v6 =	vadd.s32 s21, v0;
	_ =	sdelay $0x1  }
.Ltmp4:
0x1aa: {  	(pc) =	sbr.rel @p3 .LBB2_10-.Ltmp4, $4  }
0x1ab: {  	_ = 	snop  }
0x1ac: {  	v7 =	vmov s19;
	s19 =	smov.u32 s20;
	[tilespmem:v5+s17+$0x0] =	vst.idx.msk $0xffff, v4  }
0x1ad: {  	v5 =	vshll.u32 v7, $0x7;
	v4 =	vld.idx.msk [tilespmem:v6+s16+$0x0], $0xffff  }
0x1ae: {  	s20 =	sadd.s32 $0x10, s20;
	s21 =	sadd.s32 s19, s8;
	v5 =	vor.u32 v3, v5  }
0x1af: {  	v6 =	vadd.s32 s21, v0;
	_ =	sdelay $0x2  }
0x1b0: {  	v7 =	vmov s19  }
0x1b1: {  	[tilespmem:v5+s17+$0x0] =	vst.idx.msk $0xffff, v4;
	v4 =	vshll.u32 v7, $0x7  }
0x1b2: {  	v4 =	vor.u32 v3, v4;
	v5 =	vld.idx.msk [tilespmem:v6+s16+$0x0], $0xffff;
	_ =	sdelay $0x4  }
0x1b3: {  	[tilespmem:v4+s17+$0x0] =	vst.idx.msk $0xffff, v5  }
0x1b4: {  	[hbm4b:s9+s2] =	stream.linear.scatter [tilespmem:s17], [sflag:$0x1], $0x9C00, $0x38;
	[tilespmem:$0x18300] =	vst v63  }
0x1b5: {  	_ =	swait.ge [sflag:s12], $0x9C00  }
0x1b6: {  	s19 =	simm.s32 @!p2 $0x0;
	s18 =	sadd.s32 $0x1, s18;
	[sflag:s12] =	ssyncset.done $0x0  }
0x1b7: {  	s20 =	simm.s32 @!p2 $0x14C00;
	p3 =	sne.s32 s18, s11;
	[sflag:s12] =	ssyncadd.s32 $0xFFFF6400  }
0x1b8: {  	[hbm4b:s10+s19] =	stream.linear.scatter @!p2 [tilespmem:s20], [sflag:$0x1], $0x400, $0x38;
	[tilespmem:$0x18300] =	vst v63  }
.Ltmp5:
0x1b9: {  	_ = 	snop;
	(pc) =	sbr.rel @p3 .LBB2_1-.Ltmp5, $4  }
0x1ba: {  	s19 =	simm.s32 @!p2 $0x1  }
0x1bb: {  	_ =	swait.ge @!p2 [sflag:s19], $0x400  }
0x1bc: {  	[sflag:s19] =	ssyncset.done @!p2 $0x0  }
0x1bd: {  	[sflag:s19] =	ssyncadd.s32 @!p2 $0xFFFFFC00  }
0x1be: {  	_ =	sfence.sel $0x180000  }
0x1bf: {  	[bflag:$0x0] =	sbarrier.arrive $0xFFFF  }
0x1c0: {  	p0 =	sne.s32 s1, $0x0;
	_ =	strace $0x9000004A  }
0x1c1: {  	s0 =	sadd.s32 @!p0 $0x100000, s0;
	[bflag:$0x2] =	sbarrier.arrive $0xFFFF  }
0x1c2: {  	[sflag:s0] =	ssyncadd.tile.s32 @!p0 $0x1;
	_ =	shalt  }
.Lfunc_end2:
_tile_overlayer_lowered:
.L_overlay_start_2:
0x1c3: {  	(tag) =	ssettag $0x2  }
0x1c4: {  	s0 =	rddreg [dreg:$0x0];
	s2 =	stileid.u32  }
0x1c5: {  	s1 =	rddreg [dreg:$0x1];
	p0 =	sne.s32 s2, $0x0  }
0x1c6: {  	s3 =	rddreg [dreg:$0x2];
	[bflag:$0x3] =	sbarrier.arrive $0xFFFF;
	s2 =	simm.s32 @!p0 $0x1C01  }
0x1c7: {  	[timem:s3], [sflag:s2] =	dma.local @!p0 [hbm:s0], s1  }
0x1c8: {  	s0 =	simm.s32 @!p0 $0x1  }
0x1c9: {  	_ =	swait.ge @!p0 [sflag:s0], s1  }
0x1ca: {  	s1 =	ssub.s32 @!p0 $0x0, s1;
	[sflag:s0] =	ssyncset.done @!p0 $0x0  }
0x1cb: {  	[sflag:s0] =	ssyncadd.s32 @!p0 s1  }
0x1cc: {  	[bflag:$0x3] =	sbarrier.arrive $0xFFFF  }
0x1cd: {  	_ =	shalt  }

// kernel: kernel.9.cloned.1.call-start
scs
__scs_entry_jumppad:
0x0: {  	(pc) =	sbr.rel $0x88, $3  }
0x1: {  	(tag) =	ssettag $0x0;
	lr =	simm.s32 $0x1  }
0x2: {  	[smem:$0x3F9D] =	sst lr;
	_ =	strace $0xD0000000  }
0x3: {  	_ = 	snop  }
0x4: {  	_ = 	snop  }
0x5: {  	_ = 	snop  }
0x6: {  	_ = 	snop  }
0x7: {  	_ = 	snop  }
__scs_overlays_trampoline_lowered:
0x8: {  	[smem:$0x3FAC] =	sst s0  }
0x9: {  	[smem:$0x3FAD] =	sst s1  }
0xa: {  	[smem:$0x3FAE] =	sst s2  }
0xb: {  	[smem:$0x3FAF] =	sst s3  }
0xc: {  	[smem:$0x3FB0] =	sst s4  }
0xd: {  	[smem:$0x3FB1] =	sst s5  }
0xe: {  	[smem:$0x3FB2] =	sst s6  }
0xf: {  	[smem:$0x3FB3] =	sst s7  }
0x10: {  	[smem:$0x3FB4] =	sst s8  }
0x11: {  	[smem:$0x3FB5] =	sst s9;
	s0 =	simm.s32 @!p0 $0x0  }
0x12: {  	s1 =	sld [smem:$0x3F9B];
	s0 =	simm.s32 @p0 $0x1  }
0x13: {  	[smem:$0x3FB6] =	sst s0;
	s0 =	simm.s32 @!p1 $0x0  }
0x14: {  	s2 =	sld [smem:$0x3F9A];
	s0 =	simm.s32 @p1 $0x1  }
0x15: {  	[smem:$0x3FB7] =	sst s0;
	s0 =	simm.s32 @!p2 $0x0  }
0x16: {  	s3 =	sld [smem:$0x3FDB];
	s0 =	simm.s32 @p2 $0x1  }
0x17: {  	s4 =	simm.s32 $0x1BF5;
	[smem:$0x3FB9] =	sst s0  }
0x18: {  	s0 =	sld [smem:$0x3F9C];
	_ =	swait.ge [sflag:s4], $0x0  }
0x19: {  	s7 =	sld [smem:$0x3F9D]  }
0x1a: {  	s8 =	sadd.s32 $0xFFFFE003, lr  }
0x1b: {  	s9 =	sadd.s32 $0xFFFFFEF7, lr;
	s5 =	simm.s32 $0xFFFFFFFF;
	p2 =	slt.u32 s8, $0xFFFFF086  }
0x1c: {  	p1 =	slt.u32 s9, $0xF7A;
	s5 =	simm.s32 @!p2 $0x0  }
0x1d: {  	s5 =	simm.s32 @p1 $0x1;
	p0 =	seq.s32 s7, s2  }
0x1e: {  	s7 =	smul.u32 @!p0 $0xF7A, s2;
	p2 =	seq.s32 @!p0 s5, $0x0  }
0x1f: {  	s9 =	smul.u32 $0xF7A, s1;
	s8 =	simm.s32 @!p0 $0x1BF5;
	p2 =	por !p2, p0  }
0x20: {  	[sflag:s8] =	ssyncset.s32 @!p0 $0xFFFFF086;
	s6 =	sadd.s32 @!p0 s3, s7;
	s7 =	simm.s32 @!p0 $0x108  }
0x21: {  	s3 =	sadd.s32 s3, s9;
	s6 =	sadd.s32 @!p0 $0x88, s6;
	s7 =	simm.s32 @p2 $0x1082  }
0x22: {  	[simem:s7], [sflag:s8] =	dma.local @!p0 [hbm:s6], $0xF7A  }
0x23: {  	s9 =	sor.u32 $0xD0000000, s2;
	s6 =	simm.s32 $0x108;
	_ =	swait.ge @!p0 [sflag:s8], $0x0  }
0x24: {  	s3 =	sadd.s32 $0x88, s3;
	s6 =	simm.s32 @!p1 $0x1082;
	[sflag:s4] =	ssyncset.s32 $0xFFFFF086  }
0x25: {  	[simem:s6], [sflag:s4] =	dma.local [hbm:s3], $0xF7A  }
0x26: {  	[smem:$0x3F9D] =	sst s1;
	(tag) =	ssettag s2;
	_ =	strace s9  }
0x27: {  	s1 =	sld [smem:$0x3FAD]  }
0x28: {  	s2 =	sld [smem:$0x3FAE]  }
0x29: {  	s4 =	sld [smem:$0x3FB0]  }
0x2a: {  	p0 =	seq.s32 s5, $0x0;
	s5 =	sld [smem:$0x3FB1]  }
0x2b: {  	s6 =	sld [smem:$0x3FB2]  }
0x2c: {  	s7 =	sld [smem:$0x3FB3]  }
0x2d: {  	s3 =	simm.s32 $0x108;
	s8 =	sld [smem:$0x3FB4]  }
0x2e: {  	s3 =	simm.s32 @!p0 $0x1082;
	s9 =	sld [smem:$0x3FB5]  }
0x2f: {  	lr =	sadd.s32 s0, s3;
	s0 =	sld [smem:$0x3FAC]  }
0x30: {  	s3 =	sld [smem:$0x3FAF]  }
0x31: {  	[smem:$0x3FB8] =	sst s10  }
0x32: {  	s10 =	sld [smem:$0x3FB6];
	_ =	sdelay $0x3  }
0x33: {  	p0 =	seq.s32 s10, $0x1;
	s10 =	sld [smem:$0x3FB8];
	_ =	sdelay $0x3  }
0x34: {  	[smem:$0x3FB8] =	sst s10  }
0x35: {  	s10 =	sld [smem:$0x3FB7];
	_ =	sdelay $0x3  }
0x36: {  	p1 =	seq.s32 s10, $0x1;
	s10 =	sld [smem:$0x3FB8];
	_ =	sdelay $0x3  }
0x37: {  	[smem:$0x3FB8] =	sst s10  }
0x38: {  	s10 =	sld [smem:$0x3FB9]  }
0x39: {  	_ = 	snop;
	(pc) =	sbr.ind lr, $3  }
0x3a: {  	_ = 	snop  }
0x3b: {  	_ = 	snop  }
0x3c: {  	p2 =	seq.s32 s10, $0x1;
	s10 =	sld [smem:$0x3FB8]  }
0x3d: {  	_ =	shalt  }
0x3e: {  	_ =	shalt  }
0x3f: {  	_ =	shalt  }
0x40: {  	_ =	shalt  }
0x41: {  	_ =	shalt  }
0x42: {  	_ =	shalt  }
0x43: {  	_ =	shalt  }
0x44: {  	_ =	shalt  }
0x45: {  	_ =	shalt  }
0x46: {  	_ =	shalt  }
0x47: {  	_ =	shalt  }
0x48: {  	_ =	shalt  }
0x49: {  	_ =	shalt  }
0x4a: {  	_ =	shalt  }
0x4b: {  	_ =	shalt  }
0x4c: {  	_ =	shalt  }
0x4d: {  	_ =	shalt  }
0x4e: {  	_ =	shalt  }
0x4f: {  	_ =	shalt  }
0x50: {  	_ =	shalt  }
0x51: {  	_ =	shalt  }
0x52: {  	_ =	shalt  }
0x53: {  	_ =	shalt  }
0x54: {  	_ =	shalt  }
0x55: {  	_ =	shalt  }
0x56: {  	_ =	shalt  }
0x57: {  	_ =	shalt  }
0x58: {  	_ =	shalt  }
0x59: {  	_ =	shalt  }
0x5a: {  	_ =	shalt  }
0x5b: {  	_ =	shalt  }
0x5c: {  	_ =	shalt  }
0x5d: {  	_ =	shalt  }
0x5e: {  	_ =	shalt  }
0x5f: {  	_ =	shalt  }
0x60: {  	_ =	shalt  }
0x61: {  	_ =	shalt  }
0x62: {  	_ =	shalt  }
0x63: {  	_ =	shalt  }
0x64: {  	_ =	shalt  }
0x65: {  	_ =	shalt  }
0x66: {  	_ =	shalt  }
0x67: {  	_ =	shalt  }
0x68: {  	_ =	shalt  }
0x69: {  	_ =	shalt  }
0x6a: {  	_ =	shalt  }
0x6b: {  	_ =	shalt  }
0x6c: {  	_ =	shalt  }
0x6d: {  	_ =	shalt  }
0x6e: {  	_ =	shalt  }
0x6f: {  	_ =	shalt  }
0x70: {  	_ =	shalt  }
0x71: {  	_ =	shalt  }
0x72: {  	_ =	shalt  }
0x73: {  	_ =	shalt  }
0x74: {  	_ =	shalt  }
0x75: {  	_ =	shalt  }
0x76: {  	_ =	shalt  }
0x77: {  	_ =	shalt  }
0x78: {  	_ =	shalt  }
0x79: {  	_ =	shalt  }
0x7a: {  	_ =	shalt  }
0x7b: {  	_ =	shalt  }
0x7c: {  	_ =	shalt  }
0x7d: {  	_ =	shalt  }
0x7e: {  	_ =	shalt  }
0x7f: {  	_ =	shalt  }
0x80: {  	_ =	shalt  }
0x81: {  	_ =	shalt  }
0x82: {  	_ =	shalt  }
0x83: {  	_ =	shalt  }
0x84: {  	_ =	shalt  }
0x85: {  	_ =	shalt  }
0x86: {  	_ =	shalt  }
0x87: {  	_ =	shalt  }
.Lfunc_end0:
.L_simem_size_0:
called_computation.1_lowered:
.L_overlay_start_0:
0x88: {  	s2 =	sld [smem:$0x3FD9]  }
0x89: {  	s3 =	sld [smem:$0x3FFE];
	_ =	sdelay $0x1  }
0x8a: {  	s1 =	srdreg.scid  }
0x8b: {  	s0 =	sand.u32 $0x1, s1  }
0x8c: {  	s17 =	sshll.u32 s0, $0xA;
	s2 =	sadd.s32 s3, s2  }
0x8d: {  	s2 =	sadd.s32 s2, s17  }
0x8e: {  	[smem:$0x3FC4] =	sst s2  }
0x8f: {  	_ = 	snop  }
0x90: {  	s2 =	sld [smem:$0x3FD0];
	(tm) =	ssettm $0x1  }
0x91: {  	s18 =	sld [smem:$0x3FFB];
	_ =	sdelay $0x3  }
0x92: {  	_ =	strace s18  }
0x93: {  	s3 =	sld [smem:$0x3FFC];
	_ =	sdelay $0x3  }
0x94: {  	_ =	strace s3  }
0x95: {  	s3 =	sld [smem:$0x3FFD];
	_ =	sdelay $0x3  }
0x96: {  	_ =	strace s3  }
0x97: {  	_ =	strace $0x8FFFFFFF  }
0x98: {  	s19 =	sld [smem:$0x3FDB];
	_ =	sdelay $0x1  }
0x99: {  	s4 =	simm.s32 $_scs_section_size  }
0x9a: {  	s5 =	simm.s32 $_size__tile_overlayer_lowered;
	s6 =	simm.s32 $_tile_overlayer_lowered  }
0x9b: {  	s22 =	simm.s32 $0x1BFF;
	s21 =	sshll.u32 s6, $0x1;
	s3 =	sadd.s32 s4, s19  }
0x9c: {  	s7 =	simm.s32 $0x0;
	s20 =	sshll.u32 s5, $0x1;
	s5 =	sadd.s32 s21, s3  }
0x9d: {  	[timem:s7], [sflag:s22] =	dma.local [hbm:s5], s20  }
0x9e: {  	_ =	swait.ge [sflag:s22], s20  }
0x9f: {  	s4 =	ssub.s32 $0x0, s20;
	[sflag:s22] =	ssyncset.done $0x0  }
0xa0: {  	[sflag:s22] =	ssyncadd.s32 s4;
	_ =	sdelay $0x1  }
0xa1: {  	s23 =	simm.s32 $0x1B8B  }
0xa2: {  	_ =	swait.ge [sflag:s23], $0x1  }
0xa3: {  	[sflag:s23] =	ssyncset.done $0x0  }
0xa4: {  	s25 =	simm.s32 $0x1B8E;
	s24 =	sld [smem:$0x3FFE];
	[sflag:s23] =	ssyncadd.s32 $0xFFFFFFFF  }
0xa5: {  	s26 =	simm.s32 $execute0_lowered;
	[smem:$0x3FD2] =	sst s25  }
0xa6: {  	s5 =	sshll.u32 s26, $0x1;
	_ =	strace $0x80000046;
	[dreg:$0x1] =	wrdreg $0xFFFFFFFF  }
0xa7: {  	s28 =	simm.s32 $_size_execute0_lowered;
	s3 =	sadd.s32 s3, s5;
	[dreg:$0x0] =	wrdreg $0x0  }
0xa8: {  	s5 =	sshll.u32 s28, $0x1;
	[dreg:$0x2] =	wrdreg s3  }
0xa9: {  	[dreg:$0x3] =	wrdreg s5  }
0xaa: {  	[dreg:$0x4] =	wrdreg $0xC0  }
0xab: {  	_ =	task [dreg:s7], $0x5FFFF  }
0xac: {  	[dreg:$0x1] =	wrdreg $0xFFFFFFFF  }
0xad: {  	[dreg:$0x0] =	wrdreg $0x60  }
0xae: {  	[dreg:$0x2] =	wrdreg s24  }
0xaf: {  	[dreg:$0x3] =	wrdreg s2  }
0xb0: {  	[dreg:$0x4] =	wrdreg $0x15C000  }
0xb1: {  	[dreg:$0x5] =	wrdreg $0xA  }
0xb2: {  	_ =	task.clear_ibuf [dreg:s7], $0x6FFFF;
	_ =	strace $0x90000046  }
0xb3: {  	s29 =	simm.s32 $0xA;
	_ =	strace $0x80000048  }
0xb4: {  	_ =	swait.ge [sflag:s29], $0x1  }
0xb5: {  	[sflag:s29] =	ssyncadd.s32 $0xFFFFFFFF  }
0xb6: {  	_ =	strace $0x90000048  }
0xb7: {  	_ =	sfence  }
0xb8: {  	s30 =	sld [smem:$0x0];
	_ =	sdelay $0x2  }
0xb9: {  	s31 =	sshll.u32 s1, $0xD;
	s1 =	sshrl.u32 s1, $0x2  }
0xba: {  	s3 =	sand.u32 $0x4000, s31;
	s1 =	sadd.s32 s1, s30  }
0xbb: {  	s0 =	sor.u32 s3, s0;
	s1 =	sshll.u32 s1, $0x11  }
0xbc: {  	s0 =	sor.u32 s1, s0  }
0xbd: {  	s0 =	sadd.s32 $0x8F2B, s0  }
0xbe: {  	[sflag:s0] =	ssyncadd.remote.s32 $0x1  }
0xbf: {  	_ =	sfence.sel $0xFFFF  }
0xc0: {  	[dreg:$0x0] =	wrdreg $0xFFFFFFFF;
	(pc) =	sbr.abs _section_cstart, $3  }
0xc1: {  	[dreg:$0x1] =	wrdreg $0xFFFFFFFF  }
0xc2: {  	_ =	task.clear_ibuf [dreg:s7], $0x2FFFF;
	_ =	strace $0x9FFFFFFF  }
0xc3: {  	(tm) =	ssettm $0x7FFFFFFF  }
tec
execute0_lowered:
.L_overlay_start_1:
0x0: {  	(tag) =	ssettag $0x1  }
0x1: {  	s0 =	rddreg [dreg:$0x0]  }
0x2: {  	s1 =	rddreg [dreg:$0x1]  }
0x3: {  	s2 =	rddreg [dreg:$0x2];
	s4 =	simm.s32 $0x0;
	s3 =	srdreg.scid  }
0x4: {  	s11 =	stileid.u32;
	s28 =	simm.s32 $0x50;
	s29 =	simm.s32 $0x10000  }
0x5: {  	s31 =	simm.s32 $0x12800;
	s30 =	simm.s32 $0x3;
	[smem:$0x7FF] =	sst s4  }
0x6: {  	s3 =	sand.u32 $0x1, s3;
	s5 =	sshll.u32 s11, $0xC;
	s9 =	smul.u32 $0x27000, s11  }
0x7: {  	s26 =	smul.u32 $0x1380, s11;
	p0 =	sne.s32 s11, $0xF;
	_ =	strace $0x80000047  }
0x8: {  	s6 =	ssub.s32 $0x2, s3;
	s7 =	sadd.s32 s5, s0;
	s8 =	smul.u32 $0x9C400, s3  }
0x9: {  	s0 =	sadd.s32 $0x21400, s0;
	s5 =	sadd.s32 $0x9C000, s2;
	s17 =	smul.u32 $0x1388, s3  }
0xa: {  	s14 =	sshrl.u32 s6, $0x1;
	s10 =	sadd.s32 $0x1400, s7;
	s7 =	sadd.s32 $0x11400, s7  }
0xb: {  	s16 =	sshrl.u32 s9, $0x2;
	s6 =	ssub.s32 s6, s14;
	[dreg:$0x4] =	wrdreg s10  }
0xc: {  	[dreg:$0x5] =	wrdreg s7;
	s9 =	sadd.s32 s16, s2;
	s6 =	smax.u32 s6, $0x1  }
0xd: {  	s3 =	smul.u32 $0x13880, s3;
	s19 =	sadd.s32 $0xC00, s9;
	[dreg:$0x7] =	wrdreg s6  }
0xe: {  	s8 =	sshrl.u32 s8, $0x3;
	s20 =	sadd.s32 $0x1800, s9;
	[dreg:$0x8] =	wrdreg s19  }
0xf: {  	s15 =	sadd.s32 s0, s8;
	s21 =	sadd.s32 $0x2400, s9;
	[dreg:$0x9] =	wrdreg s20  }
0x10: {  	s22 =	sadd.s32 $0x3000, s9;
	s23 =	sadd.s32 $0x3C00, s9;
	[dreg:$0xa] =	wrdreg s21  }
0x11: {  	s24 =	sadd.s32 $0x4800, s9;
	s25 =	sadd.s32 $0x5400, s9;
	[dreg:$0xb] =	wrdreg s22  }
0x12: {  	s18 =	sadd.s32 $0x6000, s9;
	s0 =	sadd.s32 s3, s0;
	[dreg:$0xc] =	wrdreg s23  }
0x13: {  	s3 =	simm.s32 $0x4;
	s7 =	sadd.s32 $0x13800, s15;
	[dreg:$0xd] =	wrdreg s24  }
0x14: {  	[dreg:$0xe] =	wrdreg s25;
	s19 =	sadd.s32 $0x6C00, s9;
	s20 =	sadd.s32 $0x7800, s9  }
0x15: {  	s21 =	sadd.s32 $0x8400, s9;
	s22 =	sadd.s32 $0x9000, s9;
	s23 =	sadd.s32 s26, s0  }
0x16: {  	s24 =	simm.s32 $0x15000;
	s25 =	simm.s32 $0x5;
	s26 =	simm.s32 $0x8000  }
0x17: {  	v1 =	vimm.f32 $0.0e+00;
	v0 =	vmov s17;
	s0 =	simm.s32 $0x1;
	s6 =	simm.s32 $0x0;
	[dreg:$0x6] =	wrdreg s7  }
.LBB2_1:
0x18: {  	s7 =	simm.s32 $0x70;
	s8 =	simm.s32 $0x3C0  }
.LBB2_2:
0x19: {  	p1 =	sne.s32 s8, $0x2FC0;
	[tilespmem:s7+$0x15000] =	vst v1  }
0x1a: {  	[tilespmem:s7+$0x14F90] =	vst v1  }
0x1b: {  	[tilespmem:s7+$0x14FA0] =	vst v1  }
.Ltmp0:
0x1c: {  	[tilespmem:s7+$0x14FB0] =	vst v1;
	(pc) =	sbr.rel @p1 .LBB2_2-.Ltmp0, $4  }
0x1d: {  	[tilespmem:s7+$0x14FC0] =	vst v1  }
0x1e: {  	[tilespmem:s7+$0x14FD0] =	vst v1  }
0x1f: {  	[tilespmem:s7+$0x14FE0] =	vst v1  }
0x20: {  	[tilespmem:s7+$0x14FF0] =	vst v1;
	s7 =	sshra.s32 s8, $0x2;
	s8 =	sadd.s32 $0x200, s8  }
0x21: {  	[tilespmem:s7+$0x15000] =	vst v1  }
0x22: {  	[tilespmem:s7+$0x14F90] =	vst v1  }
0x23: {  	[tilespmem:s7+$0x14FA0] =	vst v1  }
0x24: {  	[tilespmem:s7+$0x14FB0] =	vst v1  }
0x25: {  	[tilespmem:s7+$0x14FC0] =	vst v1  }
0x26: {  	[tilespmem:s7+$0x14FD0] =	vst v1  }
0x27: {  	[tilespmem:s7+$0x14FE0] =	vst v1  }
0x28: {  	[tilespmem:s7+$0x14FF0] =	vst v1  }
0x29: {  	[spmem:s9] =	stream.linear.scatter [tilespmem:s24], [sflag:$0x5], $0xC00, $0x38;
	[tilespmem:$0x1F880] =	vst v63  }
0x2a: {  	_ =	swait.ge [sflag:s25], $0xC00  }
0x2b: {  	[sflag:s25] =	ssyncset.done $0x0  }
0x2c: {  	s8 =	rddreg [dreg:$0x8];
	[sflag:s25] =	ssyncadd.s32 $0xFFFFF400  }
0x2d: {  	[spmem:s8] =	stream.linear.scatter [tilespmem:s24], [sflag:$0x5], $0xC00, $0x38;
	[tilespmem:$0x1F880] =	vst v63  }
0x2e: {  	_ =	swait.ge [sflag:s25], $0xC00  }
0x2f: {  	[sflag:s25] =	ssyncset.done $0x0  }
0x30: {  	s10 =	rddreg [dreg:$0x9];
	[sflag:s25] =	ssyncadd.s32 $0xFFFFF400  }
0x31: {  	[spmem:s10] =	stream.linear.scatter [tilespmem:s24], [sflag:$0x5], $0xC00, $0x38;
	[tilespmem:$0x1F880] =	vst v63  }
0x32: {  	_ =	swait.ge [sflag:s25], $0xC00  }
0x33: {  	[sflag:s25] =	ssyncset.done $0x0  }
0x34: {  	s11 =	rddreg [dreg:$0xa];
	[sflag:s25] =	ssyncadd.s32 $0xFFFFF400  }
0x35: {  	[spmem:s11] =	stream.linear.scatter [tilespmem:s24], [sflag:$0x5], $0xC00, $0x38;
	[tilespmem:$0x1F880] =	vst v63  }
0x36: {  	_ =	swait.ge [sflag:s25], $0xC00  }
0x37: {  	[sflag:s25] =	ssyncset.done $0x0  }
0x38: {  	s12 =	rddreg [dreg:$0xb];
	[sflag:s25] =	ssyncadd.s32 $0xFFFFF400  }
0x39: {  	[spmem:s12] =	stream.linear.scatter [tilespmem:s24], [sflag:$0x5], $0xC00, $0x38;
	[tilespmem:$0x1F880] =	vst v63  }
0x3a: {  	_ =	swait.ge [sflag:s25], $0xC00  }
0x3b: {  	[sflag:s25] =	ssyncset.done $0x0  }
0x3c: {  	s13 =	rddreg [dreg:$0xc];
	[sflag:s25] =	ssyncadd.s32 $0xFFFFF400  }
0x3d: {  	[spmem:s13] =	stream.linear.scatter [tilespmem:s24], [sflag:$0x5], $0xC00, $0x38;
	[tilespmem:$0x1F880] =	vst v63  }
0x3e: {  	_ =	swait.ge [sflag:s25], $0xC00  }
0x3f: {  	[sflag:s25] =	ssyncset.done $0x0  }
0x40: {  	s14 =	rddreg [dreg:$0xd];
	[sflag:s25] =	ssyncadd.s32 $0xFFFFF400  }
0x41: {  	[spmem:s14] =	stream.linear.scatter [tilespmem:s24], [sflag:$0x5], $0xC00, $0x38;
	[tilespmem:$0x1F880] =	vst v63  }
0x42: {  	_ =	swait.ge [sflag:s25], $0xC00  }
0x43: {  	[sflag:s25] =	ssyncset.done $0x0  }
0x44: {  	s15 =	rddreg [dreg:$0xe];
	[sflag:s25] =	ssyncadd.s32 $0xFFFFF400  }
0x45: {  	[spmem:s15] =	stream.linear.scatter [tilespmem:s24], [sflag:$0x5], $0xC00, $0x38;
	[tilespmem:$0x1F880] =	vst v63  }
0x46: {  	_ =	swait.ge [sflag:s25], $0xC00  }
0x47: {  	[sflag:s25] =	ssyncset.done $0x0  }
0x48: {  	[sflag:s25] =	ssyncadd.s32 $0xFFFFF400  }
0x49: {  	[spmem:s18] =	stream.linear.scatter [tilespmem:s24], [sflag:$0x5], $0xC00, $0x38;
	[tilespmem:$0x1F880] =	vst v63  }
0x4a: {  	_ =	swait.ge [sflag:s25], $0xC00  }
0x4b: {  	[sflag:s25] =	ssyncset.done $0x0  }
0x4c: {  	[sflag:s25] =	ssyncadd.s32 $0xFFFFF400  }
0x4d: {  	[spmem:s19] =	stream.linear.scatter [tilespmem:s24], [sflag:$0x5], $0xC00, $0x38;
	[tilespmem:$0x1F880] =	vst v63  }
0x4e: {  	_ =	swait.ge [sflag:s25], $0xC00  }
0x4f: {  	[sflag:s25] =	ssyncset.done $0x0  }
0x50: {  	[sflag:s25] =	ssyncadd.s32 $0xFFFFF400  }
0x51: {  	[spmem:s20] =	stream.linear.scatter [tilespmem:s24], [sflag:$0x5], $0xC00, $0x38;
	[tilespmem:$0x1F880] =	vst v63  }
0x52: {  	_ =	swait.ge [sflag:s25], $0xC00  }
0x53: {  	[sflag:s25] =	ssyncset.done $0x0  }
0x54: {  	[sflag:s25] =	ssyncadd.s32 $0xFFFFF400  }
0x55: {  	[spmem:s21] =	stream.linear.scatter [tilespmem:s24], [sflag:$0x5], $0xC00, $0x38;
	[tilespmem:$0x1F880] =	vst v63  }
0x56: {  	_ =	swait.ge [sflag:s25], $0xC00  }
0x57: {  	[sflag:s25] =	ssyncset.done $0x0  }
0x58: {  	[sflag:s25] =	ssyncadd.s32 $0xFFFFF400  }
0x59: {  	[spmem:s22] =	stream.linear.scatter [tilespmem:s24], [sflag:$0x5], $0xC00, $0x38;
	[tilespmem:$0x1F880] =	vst v63  }
0x5a: {  	_ =	swait.ge [sflag:s25], $0xC00  }
0x5b: {  	[sflag:s25] =	ssyncset.done $0x0  }
0x5c: {  	s7 =	simm.s32 @!p0 $0x15000;
	[sflag:s25] =	ssyncadd.s32 $0xFFFFF400  }
0x5d: {  	[spmem:s5] =	stream.linear.scatter @!p0 [tilespmem:s7], [sflag:$0x5], $0x800, $0x38;
	[tilespmem:$0x1F880] =	vst v63  }
0x5e: {  	s7 =	simm.s32 @!p0 $0x5  }
0x5f: {  	_ =	swait.ge @!p0 [sflag:s7], $0x800  }
0x60: {  	[sflag:s7] =	ssyncset.done @!p0 $0x0  }
0x61: {  	s16 =	rddreg [dreg:$0x4];
	[sflag:s7] =	ssyncadd.s32 @!p0 $0xFFFFF800  }
0x62: {  	[tilespmem:s4], [sflag:$0x5] =	stream.linear.gather [hbm4b:s16+s4], $0x7D00, $0x38;
	[tilespmem:$0x1F880] =	vst v63  }
0x63: {  	_ =	swait.ge [sflag:s25], $0x7D00  }
0x64: {  	[sflag:s25] =	ssyncset.done $0x0  }
0x65: {  	s17 =	rddreg [dreg:$0x5];
	[sflag:s25] =	ssyncadd.s32 $0xFFFF8300  }
0x66: {  	[tilespmem:s26], [sflag:$0x5] =	stream.linear.gather [hbm4b:s17+s4], $0x7D00, $0x38;
	[tilespmem:$0x1F880] =	vst v63  }
0x67: {  	_ =	swait.ge [sflag:s25], $0x7D00  }
0x68: {  	[sflag:s25] =	ssyncset.done $0x0  }
0x69: {  	s7 =	simm.s32 $0x40;
	[sflag:s25] =	ssyncadd.s32 $0xFFFF8300  }
0x6a: {  	v4 =	vld [tilespmem:s7+$0x7FC0]  }
0x6b: {  	v5 =	vld [tilespmem:s7+$0x7FD0]  }
0x6c: {  	v3 =	vld [tilespmem:s7+$0x7FE0]  }
0x6d: {  	s8 =	simm.s32 $0x300;
	v2 =	vld [tilespmem:s7+$0x7FF0]  }
.LBB2_4:
0x6e: {  	p1 =	sne.s32 s8, $0x1F300;
	v6 =	vld [tilespmem:s7+$0x8000]  }
0x6f: {  	v4 =	vsub.s32 v4, v0  }
0x70: {  	v4 =	vmin.u32 v4, $0x1388;
	v5 =	vsub.s32 v5, v0  }
.Ltmp1:
0x71: {  	s10 =	sshra.s32 s8, $0x2;
	[tilespmem:s7+$0x7FC0] =	vst v4;
	v5 =	vmin.u32 v5, $0x1388;
	v3 =	vsub.s32 v3, v0;
	(pc) =	sbr.rel @p1 .LBB2_4-.Ltmp1, $4  }
0x72: {  	v4 =	vld [tilespmem:s10+$0x7FC0];
	[tilespmem:s7+$0x7FD0] =	vst v5;
	v3 =	vmin.u32 v3, $0x1388;
	v2 =	vsub.s32 v2, v0  }
0x73: {  	v5 =	vld [tilespmem:s10+$0x7FD0];
	[tilespmem:s7+$0x7FE0] =	vst v3;
	v2 =	vmin.u32 v2, $0x1388;
	v6 =	vsub.s32 v6, v0  }
0x74: {  	v3 =	vld [tilespmem:s10+$0x7FE0];
	[tilespmem:s7+$0x7FF0] =	vst v2;
	v6 =	vmin.u32 v6, $0x1388  }
0x75: {  	s8 =	sadd.s32 $0x200, s8;
	v2 =	vld [tilespmem:s10+$0x7FF0];
	[tilespmem:s7+$0x8000] =	vst v6;
	s7 =	smov.u32 s10  }
0x76: {  	v6 =	vld [tilespmem:s7+$0x8000]  }
0x77: {  	v4 =	vsub.s32 v4, v0  }
0x78: {  	v4 =	vmin.u32 v4, $0x1388;
	v5 =	vsub.s32 v5, v0  }
0x79: {  	[tilespmem:s7+$0x7FC0] =	vst v4;
	v63 =	vmin.u32 v5, $0x1388;
	v3 =	vsub.s32 v3, v0  }
0x7a: {  	[tilespmem:s7+$0x7FD0] =	vst v63;
	v3 =	vmin.u32 v3, $0x1388;
	v2 =	vsub.s32 v2, v0  }
0x7b: {  	[tilespmem:s7+$0x7FE0] =	vst v3;
	v2 =	vmin.u32 v2, $0x1388;
	v3 =	vsub.s32 v6, v0  }
0x7c: {  	[tilespmem:s7+$0x7FF0] =	vst v2;
	v2 =	vmin.u32 v3, $0x1388  }
0x7d: {  	[tilespmem:s7+$0x8000] =	vst v2  }
0x7e: {  	s15 =	simm.s32 $0x0;
	[bflag:$0x0] =	sbarrier.arrive $0xFFFF  }
0x7f: {  	[tilespmem:s29], [sflag:$0x1] =	stream.indirect.gather [hbm4b:s1+s28], $0x80, s15, s28, $0xb8;
	[tilespmem:$0x1F880] =	vst v63  }
0x80: {  	s8 =	simm.s32 $0x80  }
0x81: {  	[tilespmem:s31], [sflag:$0x2] =	stream.indirect.gather [hbm4b:s1+s28], $0x80, s8, s28, $0xb8;
	[tilespmem:$0x1F880] =	vst v63  }
0x82: {  	_ =	swait.ge [sflag:s0], $0x2800  }
0x83: {  	[sflag:s0] =	ssyncset.done $0x0  }
0x84: {  	s10 =	simm.s32 $0x2;
	[sflag:s0] =	ssyncadd.s32 $0xFFFFD800  }
0x85: {  	[spmem:s2] =	stream.indirect.scatter.add.f32 [tilespmem:s29], [sflag:$0x3], $0x80, s26, s28, $0xb8;
	[tilespmem:$0x1F880] =	vst v63  }
0x86: {  	_ =	swait.ge [sflag:s10], $0x2800  }
0x87: {  	s16 =	simm.s32 $0x8080;
	[sflag:s10] =	ssyncset.done $0x0  }
0x88: {  	s11 =	sand.u32 $0x1, s10;
	s7 =	smul.u32 $0xA000, s15;
	[sflag:s10] =	ssyncadd.s32 $0xFFFFD800  }
0x89: {  	[spmem:s2] =	stream.indirect.scatter.add.f32 [tilespmem:s31], [sflag:$0x4], $0x80, s16, s28, $0xb8;
	[tilespmem:$0x1F880] =	vst v63  }
0x8a: {  	s17 =	simm.s32 $0x1;
	s12 =	sadd.s32 $0x1, s11;
	_ =	swait.ge [sflag:s30], $0x2800  }
0x8b: {  	s13 =	smul.u32 $0xA000, s11;
	s7 =	sshra.s32 s7, $0x2;
	[sflag:s30] =	ssyncset.done $0x0  }
0x8c: {  	s7 =	sadd.s32 $0x10000, s7;
	s8 =	simm.s32 $0x100;
	[sflag:s30] =	ssyncadd.s32 $0xFFFFD800  }
0x8d: {  	[tilespmem:s7], [sflag:s17] =	stream.indirect.gather [hbm4b:s1+s28], $0x80, s8, s28, $0xb8;
	[tilespmem:$0x1F880] =	vst v63  }
0x8e: {  	s13 =	sshrl.u32 s13, $0x2;
	_ =	swait.ge [sflag:s12], $0x2800  }
0x8f: {  	s13 =	sor.u32 $0x10000, s13;
	s10 =	sxor.u32 $0x1, s11;
	[sflag:s12] =	ssyncset.done $0x0  }
0x90: {  	s11 =	sadd.s32 $0x3, s11;
	s7 =	simm.s32 $0x8100;
	[sflag:s12] =	ssyncadd.s32 $0xFFFFD800  }
0x91: {  	[spmem:s2] =	stream.indirect.scatter.add.f32 [tilespmem:s13], [sflag:s11], $0x80, s7, s28, $0xb8;
	[tilespmem:$0x1F880] =	vst v63  }
0x92: {  	s14 =	smul.u32 $0xA000, s10;
	s13 =	sadd.s32 $0x3, s10  }
0x93: {  	s12 =	simm.s32 $0x3;
	s11 =	simm.s32 $0x4;
	_ =	swait.ge [sflag:s13], $0x2800  }
.LBB2_6:
0x94: {  	[sflag:s13] =	ssyncset.done $0x0  }
0x95: {  	s8 =	sadd.s32 $0x80, s8;
	s7 =	sadd.s32 $0x80, s7;
	s15 =	smov.u32 s11  }
0x96: {  	p1 =	sne.s32 s11, $0xF9;
	s14 =	sshra.s32 s14, $0x2;
	[sflag:s13] =	ssyncadd.s32 $0xFFFFD800  }
0x97: {  	s12 =	sand.u32 $0x1, s12;
	s13 =	sadd.s32 $0x10000, s14;
	s14 =	sadd.s32 $0x1, s10  }
0x98: {  	s16 =	sadd.s32 $0x1, s12;
	s17 =	smul.u32 $0xA000, s12;
	s10 =	sxor.u32 $0x1, s12  }
0x99: {  	[tilespmem:s13], [sflag:s14] =	stream.indirect.gather [hbm4b:s1+s28], $0x80, s8, s28, $0xb8;
	[tilespmem:$0x1F880] =	vst v63  }
.Ltmp2:
0x9a: {  	s13 =	sshrl.u32 s17, $0x2;
	_ =	swait.ge [sflag:s16], $0x2800;
	(pc) =	sbr.rel @p1 .LBB2_6-.Ltmp2, $4  }
0x9b: {  	s12 =	sadd.s32 $0x3, s12;
	s14 =	sor.u32 $0x10000, s13;
	[sflag:s16] =	ssyncset.done $0x0  }
0x9c: {  	s11 =	sadd.s32 $0x1, s11;
	s13 =	sadd.s32 $0x3, s10;
	[sflag:s16] =	ssyncadd.s32 $0xFFFFD800  }
0x9d: {  	[spmem:s2] =	stream.indirect.scatter.add.f32 [tilespmem:s14], [sflag:s12], $0x80, s7, s28, $0xb8;
	[tilespmem:$0x1F880] =	vst v63  }
0x9e: {  	s14 =	smul.u32 $0xA000, s10;
	s12 =	smov.u32 s15;
	_ =	swait.ge [sflag:s13], $0x2800  }
0x9f: {  	[sflag:s13] =	ssyncset.done $0x0;
	s8 =	sadd.s32 $0x80, s8;
	s12 =	sand.u32 $0x1, s12  }
0xa0: {  	s10 =	sadd.s32 $0x1, s10;
	s11 =	sshra.s32 s14, $0x2;
	[sflag:s13] =	ssyncadd.s32 $0xFFFFD800  }
0xa1: {  	s13 =	sadd.s32 $0x1, s12;
	s17 =	smul.u32 $0xA000, s12;
	s11 =	sadd.s32 $0x10000, s11  }
0xa2: {  	[tilespmem:s11], [sflag:s10] =	stream.indirect.gather [hbm4b:s1+s28], $0x80, s8, s28, $0xb8;
	[tilespmem:$0x1F880] =	vst v63  }
0xa3: {  	s7 =	sadd.s32 $0x80, s7;
	s15 =	sxor.u32 $0x1, s12;
	_ =	swait.ge [sflag:s13], $0x2800  }
0xa4: {  	s16 =	sadd.s32 $0x3, s12;
	s14 =	sshrl.u32 s17, $0x2;
	[sflag:s13] =	ssyncset.done $0x0  }
0xa5: {  	s10 =	sadd.s32 $0x3, s15;
	s8 =	sor.u32 $0x10000, s14;
	[sflag:s13] =	ssyncadd.s32 $0xFFFFD800  }
0xa6: {  	[spmem:s2] =	stream.indirect.scatter.add.f32 [tilespmem:s8], [sflag:s16], $0x80, s7, s28, $0xb8;
	[tilespmem:$0x1F880] =	vst v63  }
0xa7: {  	_ =	swait.ge [sflag:s10], $0x2800  }
0xa8: {  	[sflag:s10] =	ssyncset.done $0x0  }
0xa9: {  	[sflag:s10] =	ssyncadd.s32 $0xFFFFD800  }
0xaa: {  	_ =	swait.ge [sflag:s3], $0x2800  }
0xab: {  	[sflag:s3] =	ssyncset.done $0x0  }
0xac: {  	[sflag:s3] =	ssyncadd.s32 $0xFFFFD800  }
0xad: {  	[bflag:$0x0] =	sbarrier.arrive $0xFFFF  }
0xae: {  	[tilespmem:s24], [sflag:$0x5] =	stream.linear.gather [spmem:s9], $0xC00, $0x38;
	[tilespmem:$0x1F880] =	vst v63  }
0xaf: {  	_ =	swait.ge [sflag:s25], $0xC00  }
0xb0: {  	[sflag:s25] =	ssyncset.done $0x0  }
0xb1: {  	s17 =	sadd.s32 $0x0, s23;
	[sflag:s25] =	ssyncadd.s32 $0xFFFFF400  }
0xb2: {  	[hbm4b:s17+s4] =	stream.linear.scatter [tilespmem:s24], [sflag:$0x5], $0xC00, $0x38;
	[tilespmem:$0x1F880] =	vst v63  }
0xb3: {  	_ =	swait.ge [sflag:s25], $0xC00  }
0xb4: {  	s7 =	simm.s32 $0x180;
	s8 =	smov.u32 s9;
	[sflag:s25] =	ssyncset.done $0x0  }
.LBB2_8:
0xb5: {  	p1 =	sne.s32 s7, $0x1200;
	[sflag:s25] =	ssyncadd.s32 $0xFFFFF400;
	s8 =	sadd.s32 $0xC00, s8  }
0xb6: {  	[tilespmem:s24], [sflag:$0x5] =	stream.linear.gather [spmem:s8], $0xC00, $0x38;
	[tilespmem:$0x1F880] =	vst v63  }
0xb7: {  	s10 =	smov.u32 s7;
	s7 =	sadd.s32 $0x180, s7;
	_ =	swait.ge [sflag:s25], $0xC00  }
.Ltmp3:
0xb8: {  	[sflag:s25] =	ssyncset.done $0x0;
	(pc) =	sbr.rel @p1 .LBB2_8-.Ltmp3, $4  }
0xb9: {  	s10 =	sadd.s32 s10, s23;
	[sflag:s25] =	ssyncadd.s32 $0xFFFFF400  }
0xba: {  	[hbm4b:s10+s4] =	stream.linear.scatter [tilespmem:s24], [sflag:$0x5], $0xC00, $0x38;
	[tilespmem:$0x1F880] =	vst v63  }
0xbb: {  	_ =	swait.ge [sflag:s25], $0xC00  }
0xbc: {  	[sflag:s25] =	ssyncset.done $0x0  }
0xbd: {  	[sflag:s25] =	ssyncadd.s32 $0xFFFFF400;
	s7 =	simm.s32 @!p0 $0x15000;
	s8 =	simm.s32 @!p0 $0x5  }
0xbe: {  	[tilespmem:s7], [sflag:$0x5] =	stream.linear.gather @!p0 [spmem:s5], $0x400, $0x38;
	[tilespmem:$0x1F880] =	vst v63  }
0xbf: {  	_ =	swait.ge @!p0 [sflag:s8], $0x400  }
0xc0: {  	[sflag:s8] =	ssyncset.done @!p0 $0x0  }
0xc1: {  	s10 =	simm.s32 @!p0 $0x0;
	s11 =	rddreg [dreg:$0x6];
	[sflag:s8] =	ssyncadd.s32 @!p0 $0xFFFFFC00  }
0xc2: {  	[hbm4b:s11+s10] =	stream.linear.scatter @!p0 [tilespmem:s7], [sflag:$0x5], $0x400, $0x38;
	[tilespmem:$0x1F880] =	vst v63  }
0xc3: {  	_ =	swait.ge @!p0 [sflag:s8], $0x400  }
0xc4: {  	s6 =	sadd.s32 $0x1, s6;
	s17 =	rddreg [dreg:$0x7]  }
0xc5: {  	p1 =	sne.s32 s6, s17  }
.Ltmp4:
0xc6: {  	_ = 	snop;
	(pc) =	sbr.rel @p1 .LBB2_1-.Ltmp4, $3  }
0xc7: {  	_ =	sdelay $0x1  }
0xc8: {  	[sflag:s8] =	ssyncset.done @!p0 $0x0  }
0xc9: {  	[sflag:s8] =	ssyncadd.s32 @!p0 $0xFFFFFC00  }
0xca: {  	_ =	sfence.sel $0x180000  }
0xcb: {  	[bflag:$0x0] =	sbarrier.arrive $0xFFFF  }
0xcc: {  	_ =	strace $0x90000047  }
0xcd: {  	s0 =	stileid.u32;
	[bflag:$0x2] =	sbarrier.arrive $0xFFFF  }
0xce: {  	p0 =	sne.s32 s0, $0x0;
	s0 =	rddreg [dreg:$0x3]  }
0xcf: {  	s0 =	sadd.s32 @!p0 $0x100000, s0  }
0xd0: {  	[sflag:s0] =	ssyncadd.tile.s32 @!p0 $0x1;
	_ =	shalt  }
.Lfunc_end2:
_tile_overlayer_lowered:
.L_overlay_start_2:
0xd1: {  	(tag) =	ssettag $0x2  }
0xd2: {  	s0 =	rddreg [dreg:$0x0];
	s2 =	stileid.u32  }
0xd3: {  	s1 =	rddreg [dreg:$0x1];
	p0 =	sne.s32 s2, $0x0  }
0xd4: {  	s3 =	rddreg [dreg:$0x2];
	[bflag:$0x3] =	sbarrier.arrive $0xFFFF;
	s2 =	simm.s32 @!p0 $0x1C05  }
0xd5: {  	[timem:s3], [sflag:s2] =	dma.local @!p0 [hbm:s0], s1  }
0xd6: {  	s0 =	simm.s32 @!p0 $0x5  }
0xd7: {  	_ =	swait.ge @!p0 [sflag:s0], s1  }
0xd8: {  	s1 =	ssub.s32 @!p0 $0x0, s1;
	[sflag:s0] =	ssyncset.done @!p0 $0x0  }
0xd9: {  	[sflag:s0] =	ssyncadd.s32 @!p0 s1  }
0xda: {  	[bflag:$0x3] =	sbarrier.arrive $0xFFFF  }
0xdb: {  	_ =	shalt  }

</sc_bundles>
